<compile_context>
chip_gen: v7x
topology: tpu7x:2x2x1
jax: 0.10.2.dev20260603
libtpu: 0.0.44.dev20260713+nightly
codegen_flags: <defaults>
</compile_context>

<pallas_src>
import functools

import jax
import jax.numpy as jnp
from jax import lax
from jax.experimental import pallas as pl
from jax.experimental.pallas import tpu as pltpu
from jax.experimental.pallas import tpu_sc as plsc

D = 1024
E = 8
KTOP = 2
NTOK = 2048
NSLOT = NTOK * KTOP
B = 256
GMAX = NSLOT // B + E
R = GMAX * B
S = 512
C = NSLOT // S

NC, NS = 2, 16
NW = NC * NS
TPW = NTOK // NW


def _gating_body(xf_ref, wgt_ref, bg_ref, dest_ref, w2_ref, be_ref):
    xf = xf_ref[...]
    logits = jnp.dot(xf, wgt_ref[...], preferred_element_type=jnp.float32)
    logits = logits + bg_ref[...]
    m = jnp.max(logits, axis=-1, keepdims=True)
    p = jnp.exp(logits - m)
    p = p / jnp.sum(p, axis=-1, keepdims=True)

    lane = lax.broadcasted_iota(jnp.int32, (NTOK, E), 1)
    m0 = jnp.max(p, axis=-1, keepdims=True)
    i0 = jnp.min(jnp.where(p == m0, lane, E + 1), axis=-1, keepdims=True)
    p2 = jnp.where(lane == i0, -1.0, p)
    m1 = jnp.max(p2, axis=-1, keepdims=True)
    i1 = jnp.min(jnp.where(p2 == m1, lane, E + 1), axis=-1, keepdims=True)

    e1 = jnp.exp(m1 - m0)
    w0 = 1.0 / (1.0 + e1)
    w1 = e1 / (1.0 + e1)
    w2_ref[...] = jnp.concatenate([w0, w1], axis=1)

    pi_col = jnp.concatenate([i0, i1], axis=0).astype(jnp.float32)

    def fmask(shape, fn):
        a = lax.broadcasted_iota(jnp.int32, shape, 0)
        b = lax.broadcasted_iota(jnp.int32, shape, 1)
        return fn(a, b).astype(jnp.float32)

    A = fmask((S, NSLOT), lambda i, s: s % S == i)
    cmask = fmask((NSLOT, C), lambda s, c: s // S == c)
    Pmat = pi_col * cmask
    PT = jnp.dot(A, Pmat, preferred_element_type=jnp.float32)

    Rep = fmask((C, C * E), lambda c, j: j // E == c)
    PTrep = jnp.dot(PT, Rep, preferred_element_type=jnp.float32)
    jmod = (lax.broadcasted_iota(jnp.int32, (S, C * E), 1) % E
            ).astype(jnp.float32)
    M = jnp.where(PTrep == jmod, 1.0, 0.0)

    Lexc = fmask((S, S), lambda i, j: j < i)
    cum = jnp.dot(Lexc, M, preferred_element_type=jnp.float32)

    totals = jnp.dot(jnp.ones((1, S), jnp.float32), M,
                     preferred_element_type=jnp.float32)

    Q = fmask((C * E, C * E),
              lambda i, j: (i % E == j % E) & (i // E < j // E))
    offs = jnp.dot(totals, Q, preferred_element_type=jnp.float32,
                   precision=lax.Precision.HIGHEST)

    Qg = fmask((C * E, E), lambda i, e: i % E == e)
    g_row = jnp.dot(totals, Qg, preferred_element_type=jnp.float32,
                   precision=lax.Precision.HIGHEST)
    gpad = jnp.floor((g_row + (B - 1)) * (1.0 / B)) * B
    Tri8 = fmask((E, E), lambda i, j: i < j)
    padoff = jnp.dot(gpad, Tri8, preferred_element_type=jnp.float32,
                   precision=lax.Precision.HIGHEST)

    Rep2 = fmask((E, C * E), lambda e, j: j % E == e)
    padoff_col = jnp.dot(padoff, Rep2, preferred_element_type=jnp.float32,
                   precision=lax.Precision.HIGHEST)

    base = offs + padoff_col
    Dcol = M * (cum + base)
    Sum8 = fmask((C * E, C), lambda j, c: j // E == c)
    Dmat = jnp.dot(Dcol, Sum8, preferred_element_type=jnp.float32,
                   precision=lax.Precision.HIGHEST)
    dest_ref[...] = Dmat.astype(jnp.int32)

    padoffT = jnp.transpose(padoff)
    blk = (lax.broadcasted_iota(jnp.int32, (1, 128), 1) * B
           ).astype(jnp.float32)
    cnt = jnp.sum(jnp.where(padoffT <= blk, 1.0, 0.0), axis=0,
                  keepdims=True)
    be = jnp.clip(cnt - 1.0, 0.0, E - 1.0)
    total_pad = padoff[0:1, E - 1:E] + gpad[0:1, E - 1:E]
    act = jnp.where(blk < total_pad, 1.0, 0.0)
    be_ref[...] = jnp.concatenate([be, act], axis=0).astype(jnp.int32)


def _gating_call(xf, wgt, bg2):
    return pl.pallas_call(
        _gating_body,
        out_shape=(
            jax.ShapeDtypeStruct((S, C), jnp.int32),
            jax.ShapeDtypeStruct((NTOK, 2), jnp.float32),
            jax.ShapeDtypeStruct((2, 128), jnp.int32),
        ),
    )(xf, wgt, bg2)


def _dispatch_body(xf_hbm, da_hbm, db_hbm, xs_hbm, xrows, ia, ib, sem):
    wid = lax.axis_index("s") * NC + lax.axis_index("c")
    base = wid * TPW
    pltpu.sync_copy(xf_hbm.at[pl.ds(base, TPW), :], xrows)
    pltpu.sync_copy(da_hbm.at[pl.ds(base, TPW)], ia)
    pltpu.sync_copy(db_hbm.at[pl.ds(base, TPW)], ib)
    c1 = pltpu.async_copy(xrows, xs_hbm.at[ia], sem)
    c2 = pltpu.async_copy(xrows, xs_hbm.at[ib], sem)
    c1.wait()
    c2.wait()


def _dispatch_call(xf, da, db):
    mesh = plsc.VectorSubcoreMesh(core_axis_name="c", subcore_axis_name="s")
    f = pl.kernel(
        _dispatch_body,
        out_type=jax.ShapeDtypeStruct((R, D), jnp.float32),
        mesh=mesh,
        scratch_types=[
            pltpu.VMEM((TPW, D), jnp.float32),
            pltpu.VMEM((TPW,), jnp.int32),
            pltpu.VMEM((TPW,), jnp.int32),
            pltpu.SemaphoreType.DMA,
        ],
    )
    return f(xf, da, db)


_NT = (((1,), (1,)), ((), ()))


def _ffn_body(be_ref, act_ref, xs_ref, w1_ref, b1_ref, w2_ref, b2_ref,
              ys_ref):
    g = pl.program_id(0)

    @pl.when(act_ref[g] > 0)
    def _():
        x = xs_ref[...].astype(jnp.bfloat16)
        h = lax.dot_general(x, w1_ref[0].astype(jnp.bfloat16), _NT,
                            preferred_element_type=jnp.float32)
        h = jnp.maximum(h + b1_ref[0], 0.0)
        y = lax.dot_general(h.astype(jnp.bfloat16),
                            w2_ref[0].astype(jnp.bfloat16), _NT,
                            preferred_element_type=jnp.float32)
        ys_ref[...] = y + b2_ref[0]


def _ffn_call(be, act, xs, w1, b1r, w2, b2r):
    grid_spec = pltpu.PrefetchScalarGridSpec(
        num_scalar_prefetch=2,
        grid=(GMAX,),
        in_specs=[
            pl.BlockSpec((B, D), lambda g, be, act: (g, 0)),
            pl.BlockSpec((1, D, D), lambda g, be, act: (be[g], 0, 0)),
            pl.BlockSpec((1, 1, D), lambda g, be, act: (be[g], 0, 0)),
            pl.BlockSpec((1, D, D), lambda g, be, act: (be[g], 0, 0)),
            pl.BlockSpec((1, 1, D), lambda g, be, act: (be[g], 0, 0)),
        ],
        out_specs=pl.BlockSpec((B, D), lambda g, be, act: (g, 0)),
    )
    return pl.pallas_call(
        _ffn_body,
        grid_spec=grid_spec,
        out_shape=jax.ShapeDtypeStruct((R, D), jnp.float32),
    )(be, act, xs, w1, b1r, w2, b2r)


CH = TPW // 2


def _combine_body(ys_hbm, da_hbm, db_hbm, ya_hbm, yb_hbm, bufa, bufb, ia, ib,
                  sem):
    wid = lax.axis_index("s") * NC + lax.axis_index("c")
    base = wid * TPW
    for chunk in range(2):
        tbase = base + chunk * CH
        pltpu.sync_copy(da_hbm.at[pl.ds(tbase, CH)], ia)
        pltpu.sync_copy(db_hbm.at[pl.ds(tbase, CH)], ib)
        ca = pltpu.async_copy(ys_hbm.at[ia], bufa, sem)
        cb = pltpu.async_copy(ys_hbm.at[ib], bufb, sem)
        ca.wait()
        cb.wait()
        pltpu.sync_copy(bufa, ya_hbm.at[pl.ds(tbase, CH), :])
        pltpu.sync_copy(bufb, yb_hbm.at[pl.ds(tbase, CH), :])


def _combine_call(ys, da, db):
    mesh = plsc.VectorSubcoreMesh(core_axis_name="c", subcore_axis_name="s")
    f = pl.kernel(
        _combine_body,
        out_type=(
            jax.ShapeDtypeStruct((NTOK, D), jnp.float32),
            jax.ShapeDtypeStruct((NTOK, D), jnp.float32),
        ),
        mesh=mesh,
        scratch_types=[
            pltpu.VMEM((CH, D), jnp.float32),
            pltpu.VMEM((CH, D), jnp.float32),
            pltpu.VMEM((CH,), jnp.int32),
            pltpu.VMEM((CH,), jnp.int32),
            pltpu.SemaphoreType.DMA,
        ],
    )
    return f(ys, da, db)


def _add_body(a_ref, b_ref, w_ref, o_ref):
    wv = w_ref[...]
    o_ref[...] = a_ref[...] * wv[:, 0:1] + b_ref[...] * wv[:, 1:2]


def _add_call(a, b, w2col):
    return pl.pallas_call(
        _add_body,
        grid=(4,),
        in_specs=[
            pl.BlockSpec((NTOK // 4, D), lambda g: (g, 0)),
            pl.BlockSpec((NTOK // 4, D), lambda g: (g, 0)),
            pl.BlockSpec((NTOK // 4, 2), lambda g: (g, 0)),
        ],
        out_specs=pl.BlockSpec((NTOK // 4, D), lambda g: (g, 0)),
        out_shape=jax.ShapeDtypeStruct((NTOK, D), jnp.float32),
    )(a, b, w2col)


def kernel(x, Wg, bg, W1, b1, W2, b2):
    xf = x.reshape(-1, D)
    dest_mat, w2col, be_row = _gating_call(xf, Wg.T, bg.reshape(1, E))

    d = jnp.transpose(dest_mat).reshape(-1)
    da, db = d[:NTOK], d[NTOK:]
    be = be_row[0, :GMAX]
    act = be_row[1, :GMAX]

    xs = _dispatch_call(xf, da, db)
    ys = _ffn_call(be, act, xs, W1, b1.reshape(E, 1, D), W2,
                   b2.reshape(E, 1, D))
    ya, yb = _combine_call(ys, da, db)
    y = _add_call(ya, yb, w2col)
    return y.reshape(x.shape)

# --- scband reference (transcript-rebuilt; emitter-appended) ---
"""Pipeline reference for scband-mo-e-4123168604696 (READ-ONLY COPY).

The authoritative reference and input builder live on the scoring server;
editing this copy changes nothing except your own understanding.
"""

import jax, jax.numpy as jnp
import numpy as np

EMB = 1024
E = 8
K = 2
BATCH = 1
SEQ = 2048


def setup_inputs(seed: int = 0) -> dict:
    key = jax.random.key(seed)
    ks = jax.random.split(key, 7)
    s = 1.0 / np.sqrt(EMB)
    x = jax.random.normal(ks[0], (BATCH, SEQ, EMB), dtype=jnp.float32)
    Wg = jax.random.uniform(ks[1], (E, EMB), jnp.float32, -s, s)
    bg = jax.random.uniform(ks[2], (E,), jnp.float32, -s, s)
    W1 = jax.random.uniform(ks[3], (E, EMB, EMB), jnp.float32, -s, s)
    b1 = jax.random.uniform(ks[4], (E, EMB), jnp.float32, -s, s)
    W2 = jax.random.uniform(ks[5], (E, EMB, EMB), jnp.float32, -s, s)
    b2 = jax.random.uniform(ks[6], (E, EMB), jnp.float32, -s, s)
    return {"x": x, "Wg": Wg, "bg": bg, "W1": W1, "b1": b1, "W2": W2, "b2": b2}


def reference(x, Wg, bg, W1, b1, W2, b2):
    x_shape = x.shape
    d = x_shape[-1]
    xf = x.reshape(-1, d)
    gate_logits = xf @ Wg.T + bg
    gate_probs = jax.nn.softmax(gate_logits, axis=-1)
    top_k_probs, top_k_idx = jax.lax.top_k(gate_probs, K)
    top_k_probs = jax.nn.softmax(top_k_probs, axis=-1)
    pv = top_k_probs.reshape(-1)
    pi = top_k_idx.reshape(-1)
    N = xf.shape[0]
    xe = jnp.broadcast_to(xf[:, None, :], (N, K, d)).reshape(-1, d)
    y = jnp.zeros_like(xe)
    for e in range(E):
        h = jax.nn.relu(xe @ W1[e].T + b1[e])
        out = h @ W2[e].T + b2[e]
        mask = (pi == e).astype(xe.dtype)[:, None]
        y = y + mask * out
    y = y * pv[:, None]
    y = y.reshape(N, K, d).sum(axis=1)
    return y.reshape(x_shape)

if __name__ == "__main__":
    import jax
    _d = setup_inputs()
    print(jax.jit(kernel)(*tuple(_d.values())))

</pallas_src>

<mosaic_0001>
#map = affine_map<(d0, d1) -> (0, 0)>
#map1 = affine_map<(d0, d1) -> (0)>
module attributes {stable_mosaic.version = 14 : i64} {
  func.func @_combine_body(%arg0: i32, %arg1: i32, %arg2: memref<6144x1024xf32, #tpu.memory_space<hbm>>, %arg3: memref<2048xi32, #tpu.memory_space<hbm>>, %arg4: memref<2048xi32, #tpu.memory_space<hbm>>, %arg5: memref<2048x1024xf32, #tpu.memory_space<hbm>>, %arg6: memref<2048x1024xf32, #tpu.memory_space<hbm>>, %arg7: memref<32x1024xf32, #tpu.memory_space<vmem>>, %arg8: memref<32x1024xf32, #tpu.memory_space<vmem>>, %arg9: memref<32xi32, #tpu.memory_space<vmem>>, %arg10: memref<32xi32, #tpu.memory_space<vmem>>, %arg11: memref<!tpu.dma_semaphore, #tpu.memory_space<semaphore_mem>>) attributes {dimension_semantics = [#tpu.dimension_semantics<core_parallel>, #tpu.dimension_semantics<subcore_parallel>], iteration_bounds = array<i64: 2, 16>, scalar_prefetch = 0 : i64, scratch_operands = 5 : i64, tpu.core_type = #tpu.core_type<sc_vector_subcore>, window_params = [{transform_indices = #map}, {transform_indices = #map1}, {transform_indices = #map1}, {transform_indices = #map}, {transform_indices = #map}]} {
    %mul3A = arith.constant 2 : i32
    %mul3A_0 = arith.muli %arg1, %mul3A : i32
    %add3A = arith.addi %mul3A_0, %arg0 : i32
    %mul3A_1 = arith.constant 64 : i32
    %mul3A_2 = arith.muli %add3A, %mul3A_1 : i32
    %add3A_3 = arith.constant 0 : i32
    %add3A_4 = arith.addi %mul3A_2, %add3A_3 : i32
    "tpu.region"() ({
      %run_scoped3A = tpu.sem_alloc : memref<!tpu.dma_semaphore, #tpu.memory_space<semaphore_mem>>
      %dma_start3A_29 = tpu.memref_slice %arg3[%add3A_4] : memref<2048xi32, #tpu.memory_space<hbm>> -> memref<32xi32, #tpu.memory_space<hbm>>
      %dma_start3A_30 = tpu.memref_slice %arg3[%add3A_4] : memref<2048xi32, #tpu.memory_space<hbm>> -> memref<32xi32, #tpu.memory_space<hbm>>
      tpu.enqueue_dma source(%dma_start3A_30 : memref<32xi32, #tpu.memory_space<hbm>>) target(%arg9 : memref<32xi32, #tpu.memory_space<vmem>>) target_semaphore(%run_scoped3A : memref<!tpu.dma_semaphore, #tpu.memory_space<semaphore_mem>>)
      %dma_wait3A_31 = tpu.memref_slice %arg3[%add3A_4] : memref<2048xi32, #tpu.memory_space<hbm>> -> memref<32xi32, #tpu.memory_space<hbm>>
      %dma_wait3A_32 = tpu.memref_slice %arg3[%add3A_4] : memref<2048xi32, #tpu.memory_space<hbm>> -> memref<32xi32, #tpu.memory_space<hbm>>
      tpu.wait_dma2 semaphore(%run_scoped3A : memref<!tpu.dma_semaphore, #tpu.memory_space<semaphore_mem>>) src(%dma_wait3A_32 : memref<32xi32, #tpu.memory_space<hbm>>) dst(%arg9 : memref<32xi32, #tpu.memory_space<vmem>>)
      tpu.yield
    }) : () -> ()
    "tpu.region"() ({
      %run_scoped3A = tpu.sem_alloc : memref<!tpu.dma_semaphore, #tpu.memory_space<semaphore_mem>>
      %dma_start3A_29 = tpu.memref_slice %arg4[%add3A_4] : memref<2048xi32, #tpu.memory_space<hbm>> -> memref<32xi32, #tpu.memory_space<hbm>>
      %dma_start3A_30 = tpu.memref_slice %arg4[%add3A_4] : memref<2048xi32, #tpu.memory_space<hbm>> -> memref<32xi32, #tpu.memory_space<hbm>>
      tpu.enqueue_dma source(%dma_start3A_30 : memref<32xi32, #tpu.memory_space<hbm>>) target(%arg10 : memref<32xi32, #tpu.memory_space<vmem>>) target_semaphore(%run_scoped3A : memref<!tpu.dma_semaphore, #tpu.memory_space<semaphore_mem>>)
      %dma_wait3A_31 = tpu.memref_slice %arg4[%add3A_4] : memref<2048xi32, #tpu.memory_space<hbm>> -> memref<32xi32, #tpu.memory_space<hbm>>
      %dma_wait3A_32 = tpu.memref_slice %arg4[%add3A_4] : memref<2048xi32, #tpu.memory_space<hbm>> -> memref<32xi32, #tpu.memory_space<hbm>>
      tpu.wait_dma2 semaphore(%run_scoped3A : memref<!tpu.dma_semaphore, #tpu.memory_space<semaphore_mem>>) src(%dma_wait3A_32 : memref<32xi32, #tpu.memory_space<hbm>>) dst(%arg10 : memref<32xi32, #tpu.memory_space<vmem>>)
      tpu.yield
    }) : () -> ()
    %dma_start3A = arith.constant 0 : i32
    %dma_start3A_5 = arith.constant 0 : i32
    %dma_start3A_6 = tpu.memref_slice %arg2[%dma_start3A, %dma_start3A_5] : memref<6144x1024xf32, #tpu.memory_space<hbm>> -> memref<6144x1024xf32, #tpu.memory_space<hbm>>
    tpu.enqueue_indirect_dma source(%dma_start3A_6 : memref<6144x1024xf32, #tpu.memory_space<hbm>>) target(%arg7 : memref<32x1024xf32, #tpu.memory_space<vmem>>) offsets(%arg9 : memref<32xi32, #tpu.memory_space<vmem>>) semaphore(%arg11 : memref<!tpu.dma_semaphore, #tpu.memory_space<semaphore_mem>>)
    %dma_start3A_7 = arith.constant 0 : i32
    %dma_start3A_8 = arith.constant 0 : i32
    %dma_start3A_9 = tpu.memref_slice %arg2[%dma_start3A_7, %dma_start3A_8] : memref<6144x1024xf32, #tpu.memory_space<hbm>> -> memref<6144x1024xf32, #tpu.memory_space<hbm>>
    tpu.enqueue_indirect_dma source(%dma_start3A_9 : memref<6144x1024xf32, #tpu.memory_space<hbm>>) target(%arg8 : memref<32x1024xf32, #tpu.memory_space<vmem>>) offsets(%arg10 : memref<32xi32, #tpu.memory_space<vmem>>) semaphore(%arg11 : memref<!tpu.dma_semaphore, #tpu.memory_space<semaphore_mem>>)
    %dma_wait3A = arith.constant 0 : i32
    %dma_wait3A_10 = arith.constant 0 : i32
    %dma_wait3A_11 = tpu.memref_slice %arg2[%dma_wait3A, %dma_wait3A_10] : memref<6144x1024xf32, #tpu.memory_space<hbm>> -> memref<6144x1024xf32, #tpu.memory_space<hbm>>
    tpu.wait_indirect_dma semaphore(%arg11 : memref<!tpu.dma_semaphore, #tpu.memory_space<semaphore_mem>>) src(%dma_wait3A_11 : memref<6144x1024xf32, #tpu.memory_space<hbm>>) dst(%arg7 : memref<32x1024xf32, #tpu.memory_space<vmem>>)
    %dma_wait3A_12 = arith.constant 0 : i32
    %dma_wait3A_13 = arith.constant 0 : i32
    %dma_wait3A_14 = tpu.memref_slice %arg2[%dma_wait3A_12, %dma_wait3A_13] : memref<6144x1024xf32, #tpu.memory_space<hbm>> -> memref<6144x1024xf32, #tpu.memory_space<hbm>>
    tpu.wait_indirect_dma semaphore(%arg11 : memref<!tpu.dma_semaphore, #tpu.memory_space<semaphore_mem>>) src(%dma_wait3A_14 : memref<6144x1024xf32, #tpu.memory_space<hbm>>) dst(%arg8 : memref<32x1024xf32, #tpu.memory_space<vmem>>)
    "tpu.region"() ({
      %run_scoped3A = tpu.sem_alloc : memref<!tpu.dma_semaphore, #tpu.memory_space<semaphore_mem>>
      %dma_start3A_29 = arith.constant 0 : i32
      %dma_start3A_30 = tpu.memref_slice %arg5[%add3A_4, %dma_start3A_29] : memref<2048x1024xf32, #tpu.memory_space<hbm>> -> memref<32x1024xf32, #tpu.memory_space<hbm>>
      %dma_start3A_31 = arith.constant 0 : i32
      %dma_start3A_32 = tpu.memref_slice %arg5[%add3A_4, %dma_start3A_31] : memref<2048x1024xf32, #tpu.memory_space<hbm>> -> memref<32x1024xf32, #tpu.memory_space<hbm>>
      tpu.enqueue_dma source(%arg7 : memref<32x1024xf32, #tpu.memory_space<vmem>>) target(%dma_start3A_32 : memref<32x1024xf32, #tpu.memory_space<hbm>>) target_semaphore(%run_scoped3A : memref<!tpu.dma_semaphore, #tpu.memory_space<semaphore_mem>>)
      %dma_wait3A_33 = arith.constant 0 : i32
      %dma_wait3A_34 = tpu.memref_slice %arg5[%add3A_4, %dma_wait3A_33] : memref<2048x1024xf32, #tpu.memory_space<hbm>> -> memref<32x1024xf32, #tpu.memory_space<hbm>>
      %dma_wait3A_35 = arith.constant 0 : i32
      %dma_wait3A_36 = tpu.memref_slice %arg5[%add3A_4, %dma_wait3A_35] : memref<2048x1024xf32, #tpu.memory_space<hbm>> -> memref<32x1024xf32, #tpu.memory_space<hbm>>
      tpu.wait_dma2 semaphore(%run_scoped3A : memref<!tpu.dma_semaphore, #tpu.memory_space<semaphore_mem>>) src(%arg7 : memref<32x1024xf32, #tpu.memory_space<vmem>>) dst(%dma_wait3A_36 : memref<32x1024xf32, #tpu.memory_space<hbm>>)
      tpu.yield
    }) : () -> ()
    "tpu.region"() ({
      %run_scoped3A = tpu.sem_alloc : memref<!tpu.dma_semaphore, #tpu.memory_space<semaphore_mem>>
      %dma_start3A_29 = arith.constant 0 : i32
      %dma_start3A_30 = tpu.memref_slice %arg6[%add3A_4, %dma_start3A_29] : memref<2048x1024xf32, #tpu.memory_space<hbm>> -> memref<32x1024xf32, #tpu.memory_space<hbm>>
      %dma_start3A_31 = arith.constant 0 : i32
      %dma_start3A_32 = tpu.memref_slice %arg6[%add3A_4, %dma_start3A_31] : memref<2048x1024xf32, #tpu.memory_space<hbm>> -> memref<32x1024xf32, #tpu.memory_space<hbm>>
      tpu.enqueue_dma source(%arg8 : memref<32x1024xf32, #tpu.memory_space<vmem>>) target(%dma_start3A_32 : memref<32x1024xf32, #tpu.memory_space<hbm>>) target_semaphore(%run_scoped3A : memref<!tpu.dma_semaphore, #tpu.memory_space<semaphore_mem>>)
      %dma_wait3A_33 = arith.constant 0 : i32
      %dma_wait3A_34 = tpu.memref_slice %arg6[%add3A_4, %dma_wait3A_33] : memref<2048x1024xf32, #tpu.memory_space<hbm>> -> memref<32x1024xf32, #tpu.memory_space<hbm>>
      %dma_wait3A_35 = arith.constant 0 : i32
      %dma_wait3A_36 = tpu.memref_slice %arg6[%add3A_4, %dma_wait3A_35] : memref<2048x1024xf32, #tpu.memory_space<hbm>> -> memref<32x1024xf32, #tpu.memory_space<hbm>>
      tpu.wait_dma2 semaphore(%run_scoped3A : memref<!tpu.dma_semaphore, #tpu.memory_space<semaphore_mem>>) src(%arg8 : memref<32x1024xf32, #tpu.memory_space<vmem>>) dst(%dma_wait3A_36 : memref<32x1024xf32, #tpu.memory_space<hbm>>)
      tpu.yield
    }) : () -> ()
    %add3A_15 = arith.constant 32 : i32
    %add3A_16 = arith.addi %mul3A_2, %add3A_15 : i32
    "tpu.region"() ({
      %run_scoped3A = tpu.sem_alloc : memref<!tpu.dma_semaphore, #tpu.memory_space<semaphore_mem>>
      %dma_start3A_29 = tpu.memref_slice %arg3[%add3A_16] : memref<2048xi32, #tpu.memory_space<hbm>> -> memref<32xi32, #tpu.memory_space<hbm>>
      %dma_start3A_30 = tpu.memref_slice %arg3[%add3A_16] : memref<2048xi32, #tpu.memory_space<hbm>> -> memref<32xi32, #tpu.memory_space<hbm>>
      tpu.enqueue_dma source(%dma_start3A_30 : memref<32xi32, #tpu.memory_space<hbm>>) target(%arg9 : memref<32xi32, #tpu.memory_space<vmem>>) target_semaphore(%run_scoped3A : memref<!tpu.dma_semaphore, #tpu.memory_space<semaphore_mem>>)
      %dma_wait3A_31 = tpu.memref_slice %arg3[%add3A_16] : memref<2048xi32, #tpu.memory_space<hbm>> -> memref<32xi32, #tpu.memory_space<hbm>>
      %dma_wait3A_32 = tpu.memref_slice %arg3[%add3A_16] : memref<2048xi32, #tpu.memory_space<hbm>> -> memref<32xi32, #tpu.memory_space<hbm>>
      tpu.wait_dma2 semaphore(%run_scoped3A : memref<!tpu.dma_semaphore, #tpu.memory_space<semaphore_mem>>) src(%dma_wait3A_32 : memref<32xi32, #tpu.memory_space<hbm>>) dst(%arg9 : memref<32xi32, #tpu.memory_space<vmem>>)
      tpu.yield
    }) : () -> ()
    "tpu.region"() ({
      %run_scoped3A = tpu.sem_alloc : memref<!tpu.dma_semaphore, #tpu.memory_space<semaphore_mem>>
      %dma_start3A_29 = tpu.memref_slice %arg4[%add3A_16] : memref<2048xi32, #tpu.memory_space<hbm>> -> memref<32xi32, #tpu.memory_space<hbm>>
      %dma_start3A_30 = tpu.memref_slice %arg4[%add3A_16] : memref<2048xi32, #tpu.memory_space<hbm>> -> memref<32xi32, #tpu.memory_space<hbm>>
      tpu.enqueue_dma source(%dma_start3A_30 : memref<32xi32, #tpu.memory_space<hbm>>) target(%arg10 : memref<32xi32, #tpu.memory_space<vmem>>) target_semaphore(%run_scoped3A : memref<!tpu.dma_semaphore, #tpu.memory_space<semaphore_mem>>)
      %dma_wait3A_31 = tpu.memref_slice %arg4[%add3A_16] : memref<2048xi32, #tpu.memory_space<hbm>> -> memref<32xi32, #tpu.memory_space<hbm>>
      %dma_wait3A_32 = tpu.memref_slice %arg4[%add3A_16] : memref<2048xi32, #tpu.memory_space<hbm>> -> memref<32xi32, #tpu.memory_space<hbm>>
      tpu.wait_dma2 semaphore(%run_scoped3A : memref<!tpu.dma_semaphore, #tpu.memory_space<semaphore_mem>>) src(%dma_wait3A_32 : memref<32xi32, #tpu.memory_space<hbm>>) dst(%arg10 : memref<32xi32, #tpu.memory_space<vmem>>)
      tpu.yield
    }) : () -> ()
    %dma_start3A_17 = arith.constant 0 : i32
    %dma_start3A_18 = arith.constant 0 : i32
    %dma_start3A_19 = tpu.memref_slice %arg2[%dma_start3A_17, %dma_start3A_18] : memref<6144x1024xf32, #tpu.memory_space<hbm>> -> memref<6144x1024xf32, #tpu.memory_space<hbm>>
    tpu.enqueue_indirect_dma source(%dma_start3A_19 : memref<6144x1024xf32, #tpu.memory_space<hbm>>) target(%arg7 : memref<32x1024xf32, #tpu.memory_space<vmem>>) offsets(%arg9 : memref<32xi32, #tpu.memory_space<vmem>>) semaphore(%arg11 : memref<!tpu.dma_semaphore, #tpu.memory_space<semaphore_mem>>)
    %dma_start3A_20 = arith.constant 0 : i32
    %dma_start3A_21 = arith.constant 0 : i32
    %dma_start3A_22 = tpu.memref_slice %arg2[%dma_start3A_20, %dma_start3A_21] : memref<6144x1024xf32, #tpu.memory_space<hbm>> -> memref<6144x1024xf32, #tpu.memory_space<hbm>>
    tpu.enqueue_indirect_dma source(%dma_start3A_22 : memref<6144x1024xf32, #tpu.memory_space<hbm>>) target(%arg8 : memref<32x1024xf32, #tpu.memory_space<vmem>>) offsets(%arg10 : memref<32xi32, #tpu.memory_space<vmem>>) semaphore(%arg11 : memref<!tpu.dma_semaphore, #tpu.memory_space<semaphore_mem>>)
    %dma_wait3A_23 = arith.constant 0 : i32
    %dma_wait3A_24 = arith.constant 0 : i32
    %dma_wait3A_25 = tpu.memref_slice %arg2[%dma_wait3A_23, %dma_wait3A_24] : memref<6144x1024xf32, #tpu.memory_space<hbm>> -> memref<6144x1024xf32, #tpu.memory_space<hbm>>
    tpu.wait_indirect_dma semaphore(%arg11 : memref<!tpu.dma_semaphore, #tpu.memory_space<semaphore_mem>>) src(%dma_wait3A_25 : memref<6144x1024xf32, #tpu.memory_space<hbm>>) dst(%arg7 : memref<32x1024xf32, #tpu.memory_space<vmem>>)
    %dma_wait3A_26 = arith.constant 0 : i32
    %dma_wait3A_27 = arith.constant 0 : i32
    %dma_wait3A_28 = tpu.memref_slice %arg2[%dma_wait3A_26, %dma_wait3A_27] : memref<6144x1024xf32, #tpu.memory_space<hbm>> -> memref<6144x1024xf32, #tpu.memory_space<hbm>>
    tpu.wait_indirect_dma semaphore(%arg11 : memref<!tpu.dma_semaphore, #tpu.memory_space<semaphore_mem>>) src(%dma_wait3A_28 : memref<6144x1024xf32, #tpu.memory_space<hbm>>) dst(%arg8 : memref<32x1024xf32, #tpu.memory_space<vmem>>)
    "tpu.region"() ({
      %run_scoped3A = tpu.sem_alloc : memref<!tpu.dma_semaphore, #tpu.memory_space<semaphore_mem>>
      %dma_start3A_29 = arith.constant 0 : i32
      %dma_start3A_30 = tpu.memref_slice %arg5[%add3A_16, %dma_start3A_29] : memref<2048x1024xf32, #tpu.memory_space<hbm>> -> memref<32x1024xf32, #tpu.memory_space<hbm>>
      %dma_start3A_31 = arith.constant 0 : i32
      %dma_start3A_32 = tpu.memref_slice %arg5[%add3A_16, %dma_start3A_31] : memref<2048x1024xf32, #tpu.memory_space<hbm>> -> memref<32x1024xf32, #tpu.memory_space<hbm>>
      tpu.enqueue_dma source(%arg7 : memref<32x1024xf32, #tpu.memory_space<vmem>>) target(%dma_start3A_32 : memref<32x1024xf32, #tpu.memory_space<hbm>>) target_semaphore(%run_scoped3A : memref<!tpu.dma_semaphore, #tpu.memory_space<semaphore_mem>>)
      %dma_wait3A_33 = arith.constant 0 : i32
      %dma_wait3A_34 = tpu.memref_slice %arg5[%add3A_16, %dma_wait3A_33] : memref<2048x1024xf32, #tpu.memory_space<hbm>> -> memref<32x1024xf32, #tpu.memory_space<hbm>>
      %dma_wait3A_35 = arith.constant 0 : i32
      %dma_wait3A_36 = tpu.memref_slice %arg5[%add3A_16, %dma_wait3A_35] : memref<2048x1024xf32, #tpu.memory_space<hbm>> -> memref<32x1024xf32, #tpu.memory_space<hbm>>
      tpu.wait_dma2 semaphore(%run_scoped3A : memref<!tpu.dma_semaphore, #tpu.memory_space<semaphore_mem>>) src(%arg7 : memref<32x1024xf32, #tpu.memory_space<vmem>>) dst(%dma_wait3A_36 : memref<32x1024xf32, #tpu.memory_space<hbm>>)
      tpu.yield
    }) : () -> ()
    "tpu.region"() ({
      %run_scoped3A = tpu.sem_alloc : memref<!tpu.dma_semaphore, #tpu.memory_space<semaphore_mem>>
      %dma_start3A_29 = arith.constant 0 : i32
      %dma_start3A_30 = tpu.memref_slice %arg6[%add3A_16, %dma_start3A_29] : memref<2048x1024xf32, #tpu.memory_space<hbm>> -> memref<32x1024xf32, #tpu.memory_space<hbm>>
      %dma_start3A_31 = arith.constant 0 : i32
      %dma_start3A_32 = tpu.memref_slice %arg6[%add3A_16, %dma_start3A_31] : memref<2048x1024xf32, #tpu.memory_space<hbm>> -> memref<32x1024xf32, #tpu.memory_space<hbm>>
      tpu.enqueue_dma source(%arg8 : memref<32x1024xf32, #tpu.memory_space<vmem>>) target(%dma_start3A_32 : memref<32x1024xf32, #tpu.memory_space<hbm>>) target_semaphore(%run_scoped3A : memref<!tpu.dma_semaphore, #tpu.memory_space<semaphore_mem>>)
      %dma_wait3A_33 = arith.constant 0 : i32
      %dma_wait3A_34 = tpu.memref_slice %arg6[%add3A_16, %dma_wait3A_33] : memref<2048x1024xf32, #tpu.memory_space<hbm>> -> memref<32x1024xf32, #tpu.memory_space<hbm>>
      %dma_wait3A_35 = arith.constant 0 : i32
      %dma_wait3A_36 = tpu.memref_slice %arg6[%add3A_16, %dma_wait3A_35] : memref<2048x1024xf32, #tpu.memory_space<hbm>> -> memref<32x1024xf32, #tpu.memory_space<hbm>>
      tpu.wait_dma2 semaphore(%run_scoped3A : memref<!tpu.dma_semaphore, #tpu.memory_space<semaphore_mem>>) src(%arg8 : memref<32x1024xf32, #tpu.memory_space<vmem>>) dst(%dma_wait3A_36 : memref<32x1024xf32, #tpu.memory_space<hbm>>)
      tpu.yield
    }) : () -> ()
    return
  }
}

#map = affine_map<(d0, d1) -> (0, 0)>
#map1 = affine_map<(d0, d1) -> (0)>
module attributes {stable_mosaic.version = 14 : i64} {
  func.func @_dispatch_body(%arg0: i32, %arg1: i32, %arg2: memref<2048x1024xf32, #tpu.memory_space<hbm>>, %arg3: memref<2048xi32, #tpu.memory_space<hbm>>, %arg4: memref<2048xi32, #tpu.memory_space<hbm>>, %arg5: memref<6144x1024xf32, #tpu.memory_space<hbm>>, %arg6: memref<64x1024xf32, #tpu.memory_space<vmem>>, %arg7: memref<64xi32, #tpu.memory_space<vmem>>, %arg8: memref<64xi32, #tpu.memory_space<vmem>>, %arg9: memref<!tpu.dma_semaphore, #tpu.memory_space<semaphore_mem>>) attributes {dimension_semantics = [#tpu.dimension_semantics<core_parallel>, #tpu.dimension_semantics<subcore_parallel>], iteration_bounds = array<i64: 2, 16>, scalar_prefetch = 0 : i64, scratch_operands = 4 : i64, tpu.core_type = #tpu.core_type<sc_vector_subcore>, window_params = [{transform_indices = #map}, {transform_indices = #map1}, {transform_indices = #map1}, {transform_indices = #map}]} {
    %mul3A = arith.constant 2 : i32
    %mul3A_0 = arith.muli %arg1, %mul3A : i32
    %add3A = arith.addi %mul3A_0, %arg0 : i32
    %mul3A_1 = arith.constant 64 : i32
    %mul3A_2 = arith.muli %add3A, %mul3A_1 : i32
    "tpu.region"() ({
      %run_scoped3A = tpu.sem_alloc : memref<!tpu.dma_semaphore, #tpu.memory_space<semaphore_mem>>
      %dma_start3A_13 = arith.constant 0 : i32
      %dma_start3A_14 = tpu.memref_slice %arg2[%mul3A_2, %dma_start3A_13] : memref<2048x1024xf32, #tpu.memory_space<hbm>> -> memref<64x1024xf32, #tpu.memory_space<hbm>>
      %dma_start3A_15 = arith.constant 0 : i32
      %dma_start3A_16 = tpu.memref_slice %arg2[%mul3A_2, %dma_start3A_15] : memref<2048x1024xf32, #tpu.memory_space<hbm>> -> memref<64x1024xf32, #tpu.memory_space<hbm>>
      tpu.enqueue_dma source(%dma_start3A_16 : memref<64x1024xf32, #tpu.memory_space<hbm>>) target(%arg6 : memref<64x1024xf32, #tpu.memory_space<vmem>>) target_semaphore(%run_scoped3A : memref<!tpu.dma_semaphore, #tpu.memory_space<semaphore_mem>>)
      %dma_wait3A_17 = arith.constant 0 : i32
      %dma_wait3A_18 = tpu.memref_slice %arg2[%mul3A_2, %dma_wait3A_17] : memref<2048x1024xf32, #tpu.memory_space<hbm>> -> memref<64x1024xf32, #tpu.memory_space<hbm>>
      %dma_wait3A_19 = arith.constant 0 : i32
      %dma_wait3A_20 = tpu.memref_slice %arg2[%mul3A_2, %dma_wait3A_19] : memref<2048x1024xf32, #tpu.memory_space<hbm>> -> memref<64x1024xf32, #tpu.memory_space<hbm>>
      tpu.wait_dma2 semaphore(%run_scoped3A : memref<!tpu.dma_semaphore, #tpu.memory_space<semaphore_mem>>) src(%dma_wait3A_20 : memref<64x1024xf32, #tpu.memory_space<hbm>>) dst(%arg6 : memref<64x1024xf32, #tpu.memory_space<vmem>>)
      tpu.yield
    }) : () -> ()
    "tpu.region"() ({
      %run_scoped3A = tpu.sem_alloc : memref<!tpu.dma_semaphore, #tpu.memory_space<semaphore_mem>>
      %dma_start3A_13 = tpu.memref_slice %arg3[%mul3A_2] : memref<2048xi32, #tpu.memory_space<hbm>> -> memref<64xi32, #tpu.memory_space<hbm>>
      %dma_start3A_14 = tpu.memref_slice %arg3[%mul3A_2] : memref<2048xi32, #tpu.memory_space<hbm>> -> memref<64xi32, #tpu.memory_space<hbm>>
      tpu.enqueue_dma source(%dma_start3A_14 : memref<64xi32, #tpu.memory_space<hbm>>) target(%arg7 : memref<64xi32, #tpu.memory_space<vmem>>) target_semaphore(%run_scoped3A : memref<!tpu.dma_semaphore, #tpu.memory_space<semaphore_mem>>)
      %dma_wait3A_15 = tpu.memref_slice %arg3[%mul3A_2] : memref<2048xi32, #tpu.memory_space<hbm>> -> memref<64xi32, #tpu.memory_space<hbm>>
      %dma_wait3A_16 = tpu.memref_slice %arg3[%mul3A_2] : memref<2048xi32, #tpu.memory_space<hbm>> -> memref<64xi32, #tpu.memory_space<hbm>>
      tpu.wait_dma2 semaphore(%run_scoped3A : memref<!tpu.dma_semaphore, #tpu.memory_space<semaphore_mem>>) src(%dma_wait3A_16 : memref<64xi32, #tpu.memory_space<hbm>>) dst(%arg7 : memref<64xi32, #tpu.memory_space<vmem>>)
      tpu.yield
    }) : () -> ()
    "tpu.region"() ({
      %run_scoped3A = tpu.sem_alloc : memref<!tpu.dma_semaphore, #tpu.memory_space<semaphore_mem>>
      %dma_start3A_13 = tpu.memref_slice %arg4[%mul3A_2] : memref<2048xi32, #tpu.memory_space<hbm>> -> memref<64xi32, #tpu.memory_space<hbm>>
      %dma_start3A_14 = tpu.memref_slice %arg4[%mul3A_2] : memref<2048xi32, #tpu.memory_space<hbm>> -> memref<64xi32, #tpu.memory_space<hbm>>
      tpu.enqueue_dma source(%dma_start3A_14 : memref<64xi32, #tpu.memory_space<hbm>>) target(%arg8 : memref<64xi32, #tpu.memory_space<vmem>>) target_semaphore(%run_scoped3A : memref<!tpu.dma_semaphore, #tpu.memory_space<semaphore_mem>>)
      %dma_wait3A_15 = tpu.memref_slice %arg4[%mul3A_2] : memref<2048xi32, #tpu.memory_space<hbm>> -> memref<64xi32, #tpu.memory_space<hbm>>
      %dma_wait3A_16 = tpu.memref_slice %arg4[%mul3A_2] : memref<2048xi32, #tpu.memory_space<hbm>> -> memref<64xi32, #tpu.memory_space<hbm>>
      tpu.wait_dma2 semaphore(%run_scoped3A : memref<!tpu.dma_semaphore, #tpu.memory_space<semaphore_mem>>) src(%dma_wait3A_16 : memref<64xi32, #tpu.memory_space<hbm>>) dst(%arg8 : memref<64xi32, #tpu.memory_space<vmem>>)
      tpu.yield
    }) : () -> ()
    %dma_start3A = arith.constant 0 : i32
    %dma_start3A_3 = arith.constant 0 : i32
    %dma_start3A_4 = tpu.memref_slice %arg5[%dma_start3A, %dma_start3A_3] : memref<6144x1024xf32, #tpu.memory_space<hbm>> -> memref<6144x1024xf32, #tpu.memory_space<hbm>>
    tpu.enqueue_indirect_dma source(%arg6 : memref<64x1024xf32, #tpu.memory_space<vmem>>) target(%dma_start3A_4 : memref<6144x1024xf32, #tpu.memory_space<hbm>>) offsets(%arg7 : memref<64xi32, #tpu.memory_space<vmem>>) semaphore(%arg9 : memref<!tpu.dma_semaphore, #tpu.memory_space<semaphore_mem>>)
    %dma_start3A_5 = arith.constant 0 : i32
    %dma_start3A_6 = arith.constant 0 : i32
    %dma_start3A_7 = tpu.memref_slice %arg5[%dma_start3A_5, %dma_start3A_6] : memref<6144x1024xf32, #tpu.memory_space<hbm>> -> memref<6144x1024xf32, #tpu.memory_space<hbm>>
    tpu.enqueue_indirect_dma source(%arg6 : memref<64x1024xf32, #tpu.memory_space<vmem>>) target(%dma_start3A_7 : memref<6144x1024xf32, #tpu.memory_space<hbm>>) offsets(%arg8 : memref<64xi32, #tpu.memory_space<vmem>>) semaphore(%arg9 : memref<!tpu.dma_semaphore, #tpu.memory_space<semaphore_mem>>)
    %dma_wait3A = arith.constant 0 : i32
    %dma_wait3A_8 = arith.constant 0 : i32
    %dma_wait3A_9 = tpu.memref_slice %arg5[%dma_wait3A, %dma_wait3A_8] : memref<6144x1024xf32, #tpu.memory_space<hbm>> -> memref<6144x1024xf32, #tpu.memory_space<hbm>>
    tpu.wait_indirect_dma semaphore(%arg9 : memref<!tpu.dma_semaphore, #tpu.memory_space<semaphore_mem>>) src(%arg6 : memref<64x1024xf32, #tpu.memory_space<vmem>>) dst(%dma_wait3A_9 : memref<6144x1024xf32, #tpu.memory_space<hbm>>)
    %dma_wait3A_10 = arith.constant 0 : i32
    %dma_wait3A_11 = arith.constant 0 : i32
    %dma_wait3A_12 = tpu.memref_slice %arg5[%dma_wait3A_10, %dma_wait3A_11] : memref<6144x1024xf32, #tpu.memory_space<hbm>> -> memref<6144x1024xf32, #tpu.memory_space<hbm>>
    tpu.wait_indirect_dma semaphore(%arg9 : memref<!tpu.dma_semaphore, #tpu.memory_space<semaphore_mem>>) src(%arg6 : memref<64x1024xf32, #tpu.memory_space<vmem>>) dst(%dma_wait3A_12 : memref<6144x1024xf32, #tpu.memory_space<hbm>>)
    return
  }
}

module attributes {stable_mosaic.version = 14 : i64} {
  func.func @_gating_body(%arg0: memref<2048x1024xf32, #tpu.memory_space<vmem>>, %arg1: memref<1024x8xf32, #tpu.memory_space<vmem>>, %arg2: memref<1x8xf32, #tpu.memory_space<vmem>>, %arg3: memref<512x8xi32, #tpu.memory_space<vmem>>, %arg4: memref<2048x2xf32, #tpu.memory_space<vmem>>, %arg5: memref<2x128xi32, #tpu.memory_space<vmem>>) attributes {dimension_semantics = [], scalar_prefetch = 0 : i64, scratch_operands = 0 : i64, tpu.core_type = #tpu.core_type<tc>} {
    %get3A = arith.constant 0 : index
    %get3A_0 = arith.constant 0 : index
    %get3A_1 = vector.load %arg0[%get3A, %get3A_0] : memref<2048x1024xf32, #tpu.memory_space<vmem>>, vector<2048x1024xf32>
    %get3A_2 = arith.constant 0 : index
    %get3A_3 = arith.constant 0 : index
    %get3A_4 = vector.load %arg1[%get3A_2, %get3A_3] : memref<1024x8xf32, #tpu.memory_space<vmem>>, vector<1024x8xf32>
    %dot_general3A = arith.constant dense<0.000000e+00> : vector<2048x8xf32>
    %dot_general3A_5 = tpu.matmul %get3A_1, %get3A_4, %dot_general3A {dimension_numbers = #tpu.dot_dimension_numbers<[1], [0], [0], [1], [0, 0, 1, 1], [], []>, transpose_lhs_hint = false} : vector<2048x1024xf32>, vector<1024x8xf32>, vector<2048x8xf32> -> vector<2048x8xf32>
    %get3A_6 = arith.constant 0 : index
    %get3A_7 = arith.constant 0 : index
    %get3A_8 = vector.load %arg2[%get3A_6, %get3A_7] : memref<1x8xf32, #tpu.memory_space<vmem>>, vector<1x8xf32>
    %add3A = vector.broadcast %get3A_8 : vector<1x8xf32> to vector<2048x8xf32>
    %add3A_9 = arith.addf %dot_general3A_5, %add3A : vector<2048x8xf32>
    %reduce_max3A = arith.constant dense<0xFF800000> : vector<2048xf32>
    %reduce_max3A_10 = vector.multi_reduction <maximumf>, %add3A_9, %reduce_max3A [1] : vector<2048x8xf32> to vector<2048xf32>
    %broadcast_in_dim3A = vector.shape_cast %reduce_max3A_10 : vector<2048xf32> to vector<2048x1xf32>
    %sub3A = vector.broadcast %broadcast_in_dim3A : vector<2048x1xf32> to vector<2048x8xf32>
    %sub3A_11 = arith.subf %add3A_9, %sub3A : vector<2048x8xf32>
    %exp3A = math.exp %sub3A_11 : vector<2048x8xf32>
    %reduce_sum3A = arith.constant dense<0.000000e+00> : vector<2048xf32>
    %reduce_sum3A_12 = vector.multi_reduction <add>, %exp3A, %reduce_sum3A [1] : vector<2048x8xf32> to vector<2048xf32>
    %broadcast_in_dim3A_13 = vector.shape_cast %reduce_sum3A_12 : vector<2048xf32> to vector<2048x1xf32>
    %div3A = vector.broadcast %broadcast_in_dim3A_13 : vector<2048x1xf32> to vector<2048x8xf32>
    %div3A_14 = arith.divf %exp3A, %div3A : vector<2048x8xf32>
    %iota3A = tpu.iota {dimensions = array<i32: 1>} : vector<2048x8xi32>
    %reduce_max3A_15 = arith.constant dense<0xFF800000> : vector<2048xf32>
    %reduce_max3A_16 = vector.multi_reduction <maximumf>, %div3A_14, %reduce_max3A_15 [1] : vector<2048x8xf32> to vector<2048xf32>
    %broadcast_in_dim3A_17 = vector.shape_cast %reduce_max3A_16 : vector<2048xf32> to vector<2048x1xf32>
    %eq3A = vector.broadcast %broadcast_in_dim3A_17 : vector<2048x1xf32> to vector<2048x8xf32>
    %eq3A_18 = arith.cmpf oeq, %div3A_14, %eq3A : vector<2048x8xf32>
    %jit3A = arith.constant 9 : i32
    %broadcast_in_dim3A_19 = vector.broadcast %jit3A : i32 to vector<2048x8xi32>
    %select_n3A = arith.select %eq3A_18, %iota3A, %broadcast_in_dim3A_19 : vector<2048x8xi1>, vector<2048x8xi32>
    %reduce_min3A = arith.constant dense<2147483647> : vector<2048xi32>
    %reduce_min3A_20 = vector.multi_reduction <minsi>, %select_n3A, %reduce_min3A [1] : vector<2048x8xi32> to vector<2048xi32>
    %broadcast_in_dim3A_21 = vector.shape_cast %reduce_min3A_20 : vector<2048xi32> to vector<2048x1xi32>
    %eq3A_22 = vector.broadcast %broadcast_in_dim3A_21 : vector<2048x1xi32> to vector<2048x8xi32>
    %eq3A_23 = arith.cmpi eq, %iota3A, %eq3A_22 : vector<2048x8xi32>
    %jit3A_24 = arith.constant -1.000000e+00 : f32
    %broadcast_in_dim3A_25 = vector.broadcast %jit3A_24 : f32 to vector<2048x8xf32>
    %select_n3A_26 = arith.select %eq3A_23, %broadcast_in_dim3A_25, %div3A_14 : vector<2048x8xi1>, vector<2048x8xf32>
    %reduce_max3A_27 = arith.constant dense<0xFF800000> : vector<2048xf32>
    %reduce_max3A_28 = vector.multi_reduction <maximumf>, %select_n3A_26, %reduce_max3A_27 [1] : vector<2048x8xf32> to vector<2048xf32>
    %broadcast_in_dim3A_29 = vector.shape_cast %reduce_max3A_28 : vector<2048xf32> to vector<2048x1xf32>
    %eq3A_30 = vector.broadcast %broadcast_in_dim3A_29 : vector<2048x1xf32> to vector<2048x8xf32>
    %eq3A_31 = arith.cmpf oeq, %select_n3A_26, %eq3A_30 : vector<2048x8xf32>
    %jit3A_32 = arith.constant 9 : i32
    %broadcast_in_dim3A_33 = vector.broadcast %jit3A_32 : i32 to vector<2048x8xi32>
    %select_n3A_34 = arith.select %eq3A_31, %iota3A, %broadcast_in_dim3A_33 : vector<2048x8xi1>, vector<2048x8xi32>
    %reduce_min3A_35 = arith.constant dense<2147483647> : vector<2048xi32>
    %reduce_min3A_36 = vector.multi_reduction <minsi>, %select_n3A_34, %reduce_min3A_35 [1] : vector<2048x8xi32> to vector<2048xi32>
    %broadcast_in_dim3A_37 = vector.shape_cast %reduce_min3A_36 : vector<2048xi32> to vector<2048x1xi32>
    %sub3A_38 = arith.subf %broadcast_in_dim3A_29, %broadcast_in_dim3A_17 : vector<2048x1xf32>
    %exp3A_39 = math.exp %sub3A_38 : vector<2048x1xf32>
    %add3A_40 = arith.constant 1.000000e+00 : f32
    %add3A_41 = vector.broadcast %add3A_40 : f32 to vector<2048x1xf32>
    %add3A_42 = arith.addf %add3A_41, %exp3A_39 : vector<2048x1xf32>
    %div3A_43 = arith.constant 1.000000e+00 : f32
    %div3A_44 = vector.broadcast %div3A_43 : f32 to vector<2048x1xf32>
    %div3A_45 = arith.divf %div3A_44, %add3A_42 : vector<2048x1xf32>
    %add3A_46 = arith.constant 1.000000e+00 : f32
    %add3A_47 = vector.broadcast %add3A_46 : f32 to vector<2048x1xf32>
    %add3A_48 = arith.addf %add3A_47, %exp3A_39 : vector<2048x1xf32>
    %div3A_49 = arith.divf %exp3A_39, %add3A_48 : vector<2048x1xf32>
    %concatenate3A = tpu.concatenate %div3A_45, %div3A_49 in 1 : vector<2048x1xf32>, vector<2048x1xf32> -> vector<2048x2xf32>
    %swap3A = arith.constant 0 : index
    %swap3A_50 = arith.constant 0 : index
    %swap3A_51 = vector.load %arg4[%swap3A, %swap3A_50] : memref<2048x2xf32, #tpu.memory_space<vmem>>, vector<2048x2xf32>
    tpu.vector_store %arg4[%swap3A, %swap3A_50], %concatenate3A {strides = array<i32>} : memref<2048x2xf32, #tpu.memory_space<vmem>>, vector<2048x2xf32>,
    %concatenate3A_52 = tpu.concatenate %broadcast_in_dim3A_21, %broadcast_in_dim3A_37 in 0 : vector<2048x1xi32>, vector<2048x1xi32> -> vector<4096x1xi32>
    %convert_element_type3A = arith.sitofp %concatenate3A_52 : vector<4096x1xi32> to vector<4096x1xf32>
    %iota3A_53 = tpu.iota {dimensions = array<i32: 0>} : vector<512x4096xi32>
    %iota3A_54 = tpu.iota {dimensions = array<i32: 1>} : vector<512x4096xi32>
    %jit3A_55 = arith.constant 512 : i32
    %eq3A_56 = arith.constant 0 : i32
    %eq3A_57 = arith.cmpi eq, %jit3A_55, %eq3A_56 : i32
    %jit3A_58 = arith.constant 1 : i32
    %select_n3A_59 = arith.select %eq3A_57, %jit3A_58, %jit3A_55 : i32
    %rem3A = vector.broadcast %select_n3A_59 : i32 to vector<512x4096xi32>
    %rem3A_60 = arith.remsi %iota3A_54, %rem3A : vector<512x4096xi32>
    %ne3A = arith.constant 0 : i32
    %ne3A_61 = vector.broadcast %ne3A : i32 to vector<512x4096xi32>
    %ne3A_62 = arith.cmpi ne, %rem3A_60, %ne3A_61 : vector<512x4096xi32>
    %lt3A = arith.constant 0 : i32
    %lt3A_63 = vector.broadcast %lt3A : i32 to vector<512x4096xi32>
    %lt3A_64 = arith.cmpi slt, %rem3A_60, %lt3A_63 : vector<512x4096xi32>
    %lt3A_65 = arith.constant 0 : i32
    %lt3A_66 = arith.cmpi slt, %select_n3A_59, %lt3A_65 : i32
    %ne3A_67 = vector.broadcast %lt3A_66 : i1 to vector<512x4096xi1>
    %ne3A_68 = vector.broadcast %ne3A_67 : vector<512x4096xi1> to vector<512x4096xi1>
    %ne3A_69 = arith.xori %lt3A_64, %ne3A_68 : vector<512x4096xi1>
    %and3A = arith.andi %ne3A_69, %ne3A_62 : vector<512x4096xi1>
    %add3A_70 = vector.broadcast %select_n3A_59 : i32 to vector<512x4096xi32>
    %add3A_71 = arith.addi %rem3A_60, %add3A_70 : vector<512x4096xi32>
    %select_n3A_72 = arith.select %and3A, %add3A_71, %rem3A_60 : vector<512x4096xi1>, vector<512x4096xi32>
    %eq3A_73 = arith.cmpi eq, %select_n3A_72, %iota3A_53 : vector<512x4096xi32>
    %convert_element_type3A_74 = arith.extui %eq3A_73 : vector<512x4096xi1> to vector<512x4096xi32>
    %convert_element_type3A_75 = arith.sitofp %convert_element_type3A_74 : vector<512x4096xi32> to vector<512x4096xf32>
    %iota3A_76 = tpu.iota {dimensions = array<i32: 0>} : vector<4096x8xi32>
    %iota3A_77 = tpu.iota {dimensions = array<i32: 1>} : vector<4096x8xi32>
    %jit3A_78 = arith.constant 512 : i32
    %div3A_79 = vector.broadcast %jit3A_78 : i32 to vector<4096x8xi32>
    %div3A_80 = arith.divsi %iota3A_76, %div3A_79 : vector<4096x8xi32>
    %sign3A = arith.constant 0 : i32
    %sign3A_81 = vector.broadcast %sign3A : i32 to vector<4096x8xi32>
    %sign3A_82 = arith.cmpi sgt, %iota3A_76, %sign3A_81 : vector<4096x8xi32>
    %sign3A_83 = arith.extui %sign3A_82 : vector<4096x8xi1> to vector<4096x8xi32>
    %sign3A_84 = arith.constant 0 : i32
    %sign3A_85 = vector.broadcast %sign3A_84 : i32 to vector<4096x8xi32>
    %sign3A_86 = arith.cmpi slt, %iota3A_76, %sign3A_85 : vector<4096x8xi32>
    %sign3A_87 = arith.extui %sign3A_86 : vector<4096x8xi1> to vector<4096x8xi32>
    %sign3A_88 = arith.subi %sign3A_83, %sign3A_87 : vector<4096x8xi32>
    %sign3A_89 = arith.constant 0 : i32
    %sign3A_90 = arith.cmpi sgt, %jit3A_78, %sign3A_89 : i32
    %sign3A_91 = arith.extui %sign3A_90 : i1 to i32
    %sign3A_92 = arith.constant 0 : i32
    %sign3A_93 = arith.cmpi slt, %jit3A_78, %sign3A_92 : i32
    %sign3A_94 = arith.extui %sign3A_93 : i1 to i32
    %sign3A_95 = arith.subi %sign3A_91, %sign3A_94 : i32
    %ne3A_96 = vector.broadcast %sign3A_95 : i32 to vector<4096x8xi32>
    %ne3A_97 = arith.cmpi ne, %sign3A_88, %ne3A_96 : vector<4096x8xi32>
    %rem3A_98 = vector.broadcast %jit3A_78 : i32 to vector<4096x8xi32>
    %rem3A_99 = arith.remsi %iota3A_76, %rem3A_98 : vector<4096x8xi32>
    %ne3A_100 = arith.constant 0 : i32
    %ne3A_101 = vector.broadcast %ne3A_100 : i32 to vector<4096x8xi32>
    %ne3A_102 = arith.cmpi ne, %rem3A_99, %ne3A_101 : vector<4096x8xi32>
    %and3A_103 = arith.andi %ne3A_97, %ne3A_102 : vector<4096x8xi1>
    %sub3A_104 = arith.constant 1 : i32
    %sub3A_105 = vector.broadcast %sub3A_104 : i32 to vector<4096x8xi32>
    %sub3A_106 = arith.subi %div3A_80, %sub3A_105 : vector<4096x8xi32>
    %select_n3A_107 = arith.select %and3A_103, %sub3A_106, %div3A_80 : vector<4096x8xi1>, vector<4096x8xi32>
    %eq3A_108 = arith.cmpi eq, %select_n3A_107, %iota3A_77 : vector<4096x8xi32>
    %convert_element_type3A_109 = arith.extui %eq3A_108 : vector<4096x8xi1> to vector<4096x8xi32>
    %convert_element_type3A_110 = arith.sitofp %convert_element_type3A_109 : vector<4096x8xi32> to vector<4096x8xf32>
    %mul3A = vector.broadcast %convert_element_type3A : vector<4096x1xf32> to vector<4096x8xf32>
    %mul3A_111 = arith.mulf %mul3A, %convert_element_type3A_110 : vector<4096x8xf32>
    %dot_general3A_112 = arith.constant dense<0.000000e+00> : vector<512x8xf32>
    %dot_general3A_113 = tpu.matmul %convert_element_type3A_75, %mul3A_111, %dot_general3A_112 {dimension_numbers = #tpu.dot_dimension_numbers<[1], [0], [0], [1], [0, 0, 1, 1], [], []>, transpose_lhs_hint = false} : vector<512x4096xf32>, vector<4096x8xf32>, vector<512x8xf32> -> vector<512x8xf32>
    %iota3A_114 = tpu.iota {dimensions = array<i32: 0>} : vector<8x64xi32>
    %iota3A_115 = tpu.iota {dimensions = array<i32: 1>} : vector<8x64xi32>
    %jit3A_116 = arith.constant 8 : i32
    %div3A_117 = vector.broadcast %jit3A_116 : i32 to vector<8x64xi32>
    %div3A_118 = arith.divsi %iota3A_115, %div3A_117 : vector<8x64xi32>
    %sign3A_119 = arith.constant 0 : i32
    %sign3A_120 = vector.broadcast %sign3A_119 : i32 to vector<8x64xi32>
    %sign3A_121 = arith.cmpi sgt, %iota3A_115, %sign3A_120 : vector<8x64xi32>
    %sign3A_122 = arith.extui %sign3A_121 : vector<8x64xi1> to vector<8x64xi32>
    %sign3A_123 = arith.constant 0 : i32
    %sign3A_124 = vector.broadcast %sign3A_123 : i32 to vector<8x64xi32>
    %sign3A_125 = arith.cmpi slt, %iota3A_115, %sign3A_124 : vector<8x64xi32>
    %sign3A_126 = arith.extui %sign3A_125 : vector<8x64xi1> to vector<8x64xi32>
    %sign3A_127 = arith.subi %sign3A_122, %sign3A_126 : vector<8x64xi32>
    %sign3A_128 = arith.constant 0 : i32
    %sign3A_129 = arith.cmpi sgt, %jit3A_116, %sign3A_128 : i32
    %sign3A_130 = arith.extui %sign3A_129 : i1 to i32
    %sign3A_131 = arith.constant 0 : i32
    %sign3A_132 = arith.cmpi slt, %jit3A_116, %sign3A_131 : i32
    %sign3A_133 = arith.extui %sign3A_132 : i1 to i32
    %sign3A_134 = arith.subi %sign3A_130, %sign3A_133 : i32
    %ne3A_135 = vector.broadcast %sign3A_134 : i32 to vector<8x64xi32>
    %ne3A_136 = arith.cmpi ne, %sign3A_127, %ne3A_135 : vector<8x64xi32>
    %rem3A_137 = vector.broadcast %jit3A_116 : i32 to vector<8x64xi32>
    %rem3A_138 = arith.remsi %iota3A_115, %rem3A_137 : vector<8x64xi32>
    %ne3A_139 = arith.constant 0 : i32
    %ne3A_140 = vector.broadcast %ne3A_139 : i32 to vector<8x64xi32>
    %ne3A_141 = arith.cmpi ne, %rem3A_138, %ne3A_140 : vector<8x64xi32>
    %and3A_142 = arith.andi %ne3A_136, %ne3A_141 : vector<8x64xi1>
    %sub3A_143 = arith.constant 1 : i32
    %sub3A_144 = vector.broadcast %sub3A_143 : i32 to vector<8x64xi32>
    %sub3A_145 = arith.subi %div3A_118, %sub3A_144 : vector<8x64xi32>
    %select_n3A_146 = arith.select %and3A_142, %sub3A_145, %div3A_118 : vector<8x64xi1>, vector<8x64xi32>
    %eq3A_147 = arith.cmpi eq, %select_n3A_146, %iota3A_114 : vector<8x64xi32>
    %convert_element_type3A_148 = arith.extui %eq3A_147 : vector<8x64xi1> to vector<8x64xi32>
    %convert_element_type3A_149 = arith.sitofp %convert_element_type3A_148 : vector<8x64xi32> to vector<8x64xf32>
    %dot_general3A_150 = arith.constant dense<0.000000e+00> : vector<512x64xf32>
    %dot_general3A_151 = tpu.matmul %dot_general3A_113, %convert_element_type3A_149, %dot_general3A_150 {dimension_numbers = #tpu.dot_dimension_numbers<[1], [0], [0], [1], [0, 0, 1, 1], [], []>, transpose_lhs_hint = false} : vector<512x8xf32>, vector<8x64xf32>, vector<512x64xf32> -> vector<512x64xf32>
    %iota3A_152 = tpu.iota {dimensions = array<i32: 1>} : vector<512x64xi32>
    %jit3A_153 = arith.constant 8 : i32
    %eq3A_154 = arith.constant 0 : i32
    %eq3A_155 = arith.cmpi eq, %jit3A_153, %eq3A_154 : i32
    %jit3A_156 = arith.constant 1 : i32
    %select_n3A_157 = arith.select %eq3A_155, %jit3A_156, %jit3A_153 : i32
    %rem3A_158 = vector.broadcast %select_n3A_157 : i32 to vector<512x64xi32>
    %rem3A_159 = arith.remsi %iota3A_152, %rem3A_158 : vector<512x64xi32>
    %ne3A_160 = arith.constant 0 : i32
    %ne3A_161 = vector.broadcast %ne3A_160 : i32 to vector<512x64xi32>
    %ne3A_162 = arith.cmpi ne, %rem3A_159, %ne3A_161 : vector<512x64xi32>
    %lt3A_163 = arith.constant 0 : i32
    %lt3A_164 = vector.broadcast %lt3A_163 : i32 to vector<512x64xi32>
    %lt3A_165 = arith.cmpi slt, %rem3A_159, %lt3A_164 : vector<512x64xi32>
    %lt3A_166 = arith.constant 0 : i32
    %lt3A_167 = arith.cmpi slt, %select_n3A_157, %lt3A_166 : i32
    %ne3A_168 = vector.broadcast %lt3A_167 : i1 to vector<512x64xi1>
    %ne3A_169 = vector.broadcast %ne3A_168 : vector<512x64xi1> to vector<512x64xi1>
    %ne3A_170 = arith.xori %lt3A_165, %ne3A_169 : vector<512x64xi1>
    %and3A_171 = arith.andi %ne3A_170, %ne3A_162 : vector<512x64xi1>
    %add3A_172 = vector.broadcast %select_n3A_157 : i32 to vector<512x64xi32>
    %add3A_173 = arith.addi %rem3A_159, %add3A_172 : vector<512x64xi32>
    %select_n3A_174 = arith.select %and3A_171, %add3A_173, %rem3A_159 : vector<512x64xi1>, vector<512x64xi32>
    %convert_element_type3A_175 = arith.sitofp %select_n3A_174 : vector<512x64xi32> to vector<512x64xf32>
    %eq3A_176 = arith.cmpf oeq, %dot_general3A_151, %convert_element_type3A_175 : vector<512x64xf32>
    %jit3A_177 = arith.constant 1.000000e+00 : f32
    %jit3A_178 = arith.constant 0.000000e+00 : f32
    %broadcast_in_dim3A_179 = vector.broadcast %jit3A_177 : f32 to vector<512x64xf32>
    %broadcast_in_dim3A_180 = vector.broadcast %jit3A_178 : f32 to vector<512x64xf32>
    %select_n3A_181 = arith.select %eq3A_176, %broadcast_in_dim3A_179, %broadcast_in_dim3A_180 : vector<512x64xi1>, vector<512x64xf32>
    %iota3A_182 = tpu.iota {dimensions = array<i32: 0>} : vector<512x512xi32>
    %iota3A_183 = tpu.iota {dimensions = array<i32: 1>} : vector<512x512xi32>
    %lt3A_184 = arith.cmpi slt, %iota3A_183, %iota3A_182 : vector<512x512xi32>
    %convert_element_type3A_185 = arith.extui %lt3A_184 : vector<512x512xi1> to vector<512x512xi32>
    %convert_element_type3A_186 = arith.sitofp %convert_element_type3A_185 : vector<512x512xi32> to vector<512x512xf32>
    %dot_general3A_187 = arith.constant dense<0.000000e+00> : vector<512x64xf32>
    %dot_general3A_188 = tpu.matmul %convert_element_type3A_186, %select_n3A_181, %dot_general3A_187 {dimension_numbers = #tpu.dot_dimension_numbers<[1], [0], [0], [1], [0, 0, 1, 1], [], []>, transpose_lhs_hint = false} : vector<512x512xf32>, vector<512x64xf32>, vector<512x64xf32> -> vector<512x64xf32>
    %broadcast_in_dim3A_189 = arith.constant 1.000000e+00 : f32
    %broadcast_in_dim3A_190 = vector.broadcast %broadcast_in_dim3A_189 : f32 to vector<1x512xf32>
    %dot_general3A_191 = arith.constant dense<0.000000e+00> : vector<1x64xf32>
    %dot_general3A_192 = tpu.matmul %broadcast_in_dim3A_190, %select_n3A_181, %dot_general3A_191 {dimension_numbers = #tpu.dot_dimension_numbers<[1], [0], [0], [1], [0, 0, 1, 1], [], []>, transpose_lhs_hint = false} : vector<1x512xf32>, vector<512x64xf32>, vector<1x64xf32> -> vector<1x64xf32>
    %iota3A_193 = tpu.iota {dimensions = array<i32: 0>} : vector<64x64xi32>
    %iota3A_194 = tpu.iota {dimensions = array<i32: 1>} : vector<64x64xi32>
    %jit3A_195 = arith.constant 8 : i32
    %eq3A_196 = arith.constant 0 : i32
    %eq3A_197 = arith.cmpi eq, %jit3A_195, %eq3A_196 : i32
    %jit3A_198 = arith.constant 1 : i32
    %select_n3A_199 = arith.select %eq3A_197, %jit3A_198, %jit3A_195 : i32
    %rem3A_200 = vector.broadcast %select_n3A_199 : i32 to vector<64x64xi32>
    %rem3A_201 = arith.remsi %iota3A_193, %rem3A_200 : vector<64x64xi32>
    %ne3A_202 = arith.constant 0 : i32
    %ne3A_203 = vector.broadcast %ne3A_202 : i32 to vector<64x64xi32>
    %ne3A_204 = arith.cmpi ne, %rem3A_201, %ne3A_203 : vector<64x64xi32>
    %lt3A_205 = arith.constant 0 : i32
    %lt3A_206 = vector.broadcast %lt3A_205 : i32 to vector<64x64xi32>
    %lt3A_207 = arith.cmpi slt, %rem3A_201, %lt3A_206 : vector<64x64xi32>
    %lt3A_208 = arith.constant 0 : i32
    %lt3A_209 = arith.cmpi slt, %select_n3A_199, %lt3A_208 : i32
    %ne3A_210 = vector.broadcast %lt3A_209 : i1 to vector<64x64xi1>
    %ne3A_211 = vector.broadcast %ne3A_210 : vector<64x64xi1> to vector<64x64xi1>
    %ne3A_212 = arith.xori %lt3A_207, %ne3A_211 : vector<64x64xi1>
    %and3A_213 = arith.andi %ne3A_212, %ne3A_204 : vector<64x64xi1>
    %add3A_214 = vector.broadcast %select_n3A_199 : i32 to vector<64x64xi32>
    %add3A_215 = arith.addi %rem3A_201, %add3A_214 : vector<64x64xi32>
    %select_n3A_216 = arith.select %and3A_213, %add3A_215, %rem3A_201 : vector<64x64xi1>, vector<64x64xi32>
    %jit3A_217 = arith.constant 8 : i32
    %eq3A_218 = arith.constant 0 : i32
    %eq3A_219 = arith.cmpi eq, %jit3A_217, %eq3A_218 : i32
    %jit3A_220 = arith.constant 1 : i32
    %select_n3A_221 = arith.select %eq3A_219, %jit3A_220, %jit3A_217 : i32
    %rem3A_222 = vector.broadcast %select_n3A_221 : i32 to vector<64x64xi32>
    %rem3A_223 = arith.remsi %iota3A_194, %rem3A_222 : vector<64x64xi32>
    %ne3A_224 = arith.constant 0 : i32
    %ne3A_225 = vector.broadcast %ne3A_224 : i32 to vector<64x64xi32>
    %ne3A_226 = arith.cmpi ne, %rem3A_223, %ne3A_225 : vector<64x64xi32>
    %lt3A_227 = arith.constant 0 : i32
    %lt3A_228 = vector.broadcast %lt3A_227 : i32 to vector<64x64xi32>
    %lt3A_229 = arith.cmpi slt, %rem3A_223, %lt3A_228 : vector<64x64xi32>
    %lt3A_230 = arith.constant 0 : i32
    %lt3A_231 = arith.cmpi slt, %select_n3A_221, %lt3A_230 : i32
    %ne3A_232 = vector.broadcast %lt3A_231 : i1 to vector<64x64xi1>
    %ne3A_233 = vector.broadcast %ne3A_232 : vector<64x64xi1> to vector<64x64xi1>
    %ne3A_234 = arith.xori %lt3A_229, %ne3A_233 : vector<64x64xi1>
    %and3A_235 = arith.andi %ne3A_234, %ne3A_226 : vector<64x64xi1>
    %add3A_236 = vector.broadcast %select_n3A_221 : i32 to vector<64x64xi32>
    %add3A_237 = arith.addi %rem3A_223, %add3A_236 : vector<64x64xi32>
    %select_n3A_238 = arith.select %and3A_235, %add3A_237, %rem3A_223 : vector<64x64xi1>, vector<64x64xi32>
    %eq3A_239 = arith.cmpi eq, %select_n3A_216, %select_n3A_238 : vector<64x64xi32>
    %jit3A_240 = arith.constant 8 : i32
    %div3A_241 = vector.broadcast %jit3A_240 : i32 to vector<64x64xi32>
    %div3A_242 = arith.divsi %iota3A_193, %div3A_241 : vector<64x64xi32>
    %sign3A_243 = arith.constant 0 : i32
    %sign3A_244 = vector.broadcast %sign3A_243 : i32 to vector<64x64xi32>
    %sign3A_245 = arith.cmpi sgt, %iota3A_193, %sign3A_244 : vector<64x64xi32>
    %sign3A_246 = arith.extui %sign3A_245 : vector<64x64xi1> to vector<64x64xi32>
    %sign3A_247 = arith.constant 0 : i32
    %sign3A_248 = vector.broadcast %sign3A_247 : i32 to vector<64x64xi32>
    %sign3A_249 = arith.cmpi slt, %iota3A_193, %sign3A_248 : vector<64x64xi32>
    %sign3A_250 = arith.extui %sign3A_249 : vector<64x64xi1> to vector<64x64xi32>
    %sign3A_251 = arith.subi %sign3A_246, %sign3A_250 : vector<64x64xi32>
    %sign3A_252 = arith.constant 0 : i32
    %sign3A_253 = arith.cmpi sgt, %jit3A_240, %sign3A_252 : i32
    %sign3A_254 = arith.extui %sign3A_253 : i1 to i32
    %sign3A_255 = arith.constant 0 : i32
    %sign3A_256 = arith.cmpi slt, %jit3A_240, %sign3A_255 : i32
    %sign3A_257 = arith.extui %sign3A_256 : i1 to i32
    %sign3A_258 = arith.subi %sign3A_254, %sign3A_257 : i32
    %ne3A_259 = vector.broadcast %sign3A_258 : i32 to vector<64x64xi32>
    %ne3A_260 = arith.cmpi ne, %sign3A_251, %ne3A_259 : vector<64x64xi32>
    %rem3A_261 = vector.broadcast %jit3A_240 : i32 to vector<64x64xi32>
    %rem3A_262 = arith.remsi %iota3A_193, %rem3A_261 : vector<64x64xi32>
    %ne3A_263 = arith.constant 0 : i32
    %ne3A_264 = vector.broadcast %ne3A_263 : i32 to vector<64x64xi32>
    %ne3A_265 = arith.cmpi ne, %rem3A_262, %ne3A_264 : vector<64x64xi32>
    %and3A_266 = arith.andi %ne3A_260, %ne3A_265 : vector<64x64xi1>
    %sub3A_267 = arith.constant 1 : i32
    %sub3A_268 = vector.broadcast %sub3A_267 : i32 to vector<64x64xi32>
    %sub3A_269 = arith.subi %div3A_242, %sub3A_268 : vector<64x64xi32>
    %select_n3A_270 = arith.select %and3A_266, %sub3A_269, %div3A_242 : vector<64x64xi1>, vector<64x64xi32>
    %jit3A_271 = arith.constant 8 : i32
    %div3A_272 = vector.broadcast %jit3A_271 : i32 to vector<64x64xi32>
    %div3A_273 = arith.divsi %iota3A_194, %div3A_272 : vector<64x64xi32>
    %sign3A_274 = arith.constant 0 : i32
    %sign3A_275 = vector.broadcast %sign3A_274 : i32 to vector<64x64xi32>
    %sign3A_276 = arith.cmpi sgt, %iota3A_194, %sign3A_275 : vector<64x64xi32>
    %sign3A_277 = arith.extui %sign3A_276 : vector<64x64xi1> to vector<64x64xi32>
    %sign3A_278 = arith.constant 0 : i32
    %sign3A_279 = vector.broadcast %sign3A_278 : i32 to vector<64x64xi32>
    %sign3A_280 = arith.cmpi slt, %iota3A_194, %sign3A_279 : vector<64x64xi32>
    %sign3A_281 = arith.extui %sign3A_280 : vector<64x64xi1> to vector<64x64xi32>
    %sign3A_282 = arith.subi %sign3A_277, %sign3A_281 : vector<64x64xi32>
    %sign3A_283 = arith.constant 0 : i32
    %sign3A_284 = arith.cmpi sgt, %jit3A_271, %sign3A_283 : i32
    %sign3A_285 = arith.extui %sign3A_284 : i1 to i32
    %sign3A_286 = arith.constant 0 : i32
    %sign3A_287 = arith.cmpi slt, %jit3A_271, %sign3A_286 : i32
    %sign3A_288 = arith.extui %sign3A_287 : i1 to i32
    %sign3A_289 = arith.subi %sign3A_285, %sign3A_288 : i32
    %ne3A_290 = vector.broadcast %sign3A_289 : i32 to vector<64x64xi32>
    %ne3A_291 = arith.cmpi ne, %sign3A_282, %ne3A_290 : vector<64x64xi32>
    %rem3A_292 = vector.broadcast %jit3A_271 : i32 to vector<64x64xi32>
    %rem3A_293 = arith.remsi %iota3A_194, %rem3A_292 : vector<64x64xi32>
    %ne3A_294 = arith.constant 0 : i32
    %ne3A_295 = vector.broadcast %ne3A_294 : i32 to vector<64x64xi32>
    %ne3A_296 = arith.cmpi ne, %rem3A_293, %ne3A_295 : vector<64x64xi32>
    %and3A_297 = arith.andi %ne3A_291, %ne3A_296 : vector<64x64xi1>
    %sub3A_298 = arith.constant 1 : i32
    %sub3A_299 = vector.broadcast %sub3A_298 : i32 to vector<64x64xi32>
    %sub3A_300 = arith.subi %div3A_273, %sub3A_299 : vector<64x64xi32>
    %select_n3A_301 = arith.select %and3A_297, %sub3A_300, %div3A_273 : vector<64x64xi1>, vector<64x64xi32>
    %lt3A_302 = arith.cmpi slt, %select_n3A_270, %select_n3A_301 : vector<64x64xi32>
    %and3A_303 = arith.andi %eq3A_239, %lt3A_302 : vector<64x64xi1>
    %convert_element_type3A_304 = arith.extui %and3A_303 : vector<64x64xi1> to vector<64x64xi32>
    %convert_element_type3A_305 = arith.sitofp %convert_element_type3A_304 : vector<64x64xi32> to vector<64x64xf32>
    %dot_general3A_306 = arith.constant dense<0.000000e+00> : vector<1x64xf32>
    %dot_general3A_307 = tpu.matmul %dot_general3A_192, %convert_element_type3A_305, %dot_general3A_306 {dimension_numbers = #tpu.dot_dimension_numbers<[1], [0], [0], [1], [0, 0, 1, 1], [], []>, precision = #tpu.contract_precision<fp32>, transpose_lhs_hint = false} : vector<1x64xf32>, vector<64x64xf32>, vector<1x64xf32> -> vector<1x64xf32>
    %iota3A_308 = tpu.iota {dimensions = array<i32: 0>} : vector<64x8xi32>
    %iota3A_309 = tpu.iota {dimensions = array<i32: 1>} : vector<64x8xi32>
    %jit3A_310 = arith.constant 8 : i32
    %eq3A_311 = arith.constant 0 : i32
    %eq3A_312 = arith.cmpi eq, %jit3A_310, %eq3A_311 : i32
    %jit3A_313 = arith.constant 1 : i32
    %select_n3A_314 = arith.select %eq3A_312, %jit3A_313, %jit3A_310 : i32
    %rem3A_315 = vector.broadcast %select_n3A_314 : i32 to vector<64x8xi32>
    %rem3A_316 = arith.remsi %iota3A_308, %rem3A_315 : vector<64x8xi32>
    %ne3A_317 = arith.constant 0 : i32
    %ne3A_318 = vector.broadcast %ne3A_317 : i32 to vector<64x8xi32>
    %ne3A_319 = arith.cmpi ne, %rem3A_316, %ne3A_318 : vector<64x8xi32>
    %lt3A_320 = arith.constant 0 : i32
    %lt3A_321 = vector.broadcast %lt3A_320 : i32 to vector<64x8xi32>
    %lt3A_322 = arith.cmpi slt, %rem3A_316, %lt3A_321 : vector<64x8xi32>
    %lt3A_323 = arith.constant 0 : i32
    %lt3A_324 = arith.cmpi slt, %select_n3A_314, %lt3A_323 : i32
    %ne3A_325 = vector.broadcast %lt3A_324 : i1 to vector<64x8xi1>
    %ne3A_326 = vector.broadcast %ne3A_325 : vector<64x8xi1> to vector<64x8xi1>
    %ne3A_327 = arith.xori %lt3A_322, %ne3A_326 : vector<64x8xi1>
    %and3A_328 = arith.andi %ne3A_327, %ne3A_319 : vector<64x8xi1>
    %add3A_329 = vector.broadcast %select_n3A_314 : i32 to vector<64x8xi32>
    %add3A_330 = arith.addi %rem3A_316, %add3A_329 : vector<64x8xi32>
    %select_n3A_331 = arith.select %and3A_328, %add3A_330, %rem3A_316 : vector<64x8xi1>, vector<64x8xi32>
    %eq3A_332 = arith.cmpi eq, %select_n3A_331, %iota3A_309 : vector<64x8xi32>
    %convert_element_type3A_333 = arith.extui %eq3A_332 : vector<64x8xi1> to vector<64x8xi32>
    %convert_element_type3A_334 = arith.sitofp %convert_element_type3A_333 : vector<64x8xi32> to vector<64x8xf32>
    %dot_general3A_335 = arith.constant dense<0.000000e+00> : vector<1x8xf32>
    %dot_general3A_336 = tpu.matmul %dot_general3A_192, %convert_element_type3A_334, %dot_general3A_335 {dimension_numbers = #tpu.dot_dimension_numbers<[1], [0], [0], [1], [0, 0, 1, 1], [], []>, precision = #tpu.contract_precision<fp32>, transpose_lhs_hint = false} : vector<1x64xf32>, vector<64x8xf32>, vector<1x8xf32> -> vector<1x8xf32>
    %add3A_337 = arith.constant 2.550000e+02 : f32
    %add3A_338 = vector.broadcast %add3A_337 : f32 to vector<1x8xf32>
    %add3A_339 = arith.addf %dot_general3A_336, %add3A_338 : vector<1x8xf32>
    %mul3A_340 = arith.constant 3.906250e-03 : f32
    %mul3A_341 = vector.broadcast %mul3A_340 : f32 to vector<1x8xf32>
    %mul3A_342 = arith.mulf %add3A_339, %mul3A_341 : vector<1x8xf32>
    %floor3A = math.floor %mul3A_342 : vector<1x8xf32>
    %mul3A_343 = arith.constant 2.560000e+02 : f32
    %mul3A_344 = vector.broadcast %mul3A_343 : f32 to vector<1x8xf32>
    %mul3A_345 = arith.mulf %floor3A, %mul3A_344 : vector<1x8xf32>
    %iota3A_346 = tpu.iota {dimensions = array<i32: 0>} : vector<8x8xi32>
    %iota3A_347 = tpu.iota {dimensions = array<i32: 1>} : vector<8x8xi32>
    %lt3A_348 = arith.cmpi slt, %iota3A_346, %iota3A_347 : vector<8x8xi32>
    %convert_element_type3A_349 = arith.extui %lt3A_348 : vector<8x8xi1> to vector<8x8xi32>
    %convert_element_type3A_350 = arith.sitofp %convert_element_type3A_349 : vector<8x8xi32> to vector<8x8xf32>
    %dot_general3A_351 = arith.constant dense<0.000000e+00> : vector<1x8xf32>
    %dot_general3A_352 = tpu.matmul %mul3A_345, %convert_element_type3A_350, %dot_general3A_351 {dimension_numbers = #tpu.dot_dimension_numbers<[1], [0], [0], [1], [0, 0, 1, 1], [], []>, precision = #tpu.contract_precision<fp32>, transpose_lhs_hint = false} : vector<1x8xf32>, vector<8x8xf32>, vector<1x8xf32> -> vector<1x8xf32>
    %iota3A_353 = tpu.iota {dimensions = array<i32: 0>} : vector<8x64xi32>
    %iota3A_354 = tpu.iota {dimensions = array<i32: 1>} : vector<8x64xi32>
    %jit3A_355 = arith.constant 8 : i32
    %eq3A_356 = arith.constant 0 : i32
    %eq3A_357 = arith.cmpi eq, %jit3A_355, %eq3A_356 : i32
    %jit3A_358 = arith.constant 1 : i32
    %select_n3A_359 = arith.select %eq3A_357, %jit3A_358, %jit3A_355 : i32
    %rem3A_360 = vector.broadcast %select_n3A_359 : i32 to vector<8x64xi32>
    %rem3A_361 = arith.remsi %iota3A_354, %rem3A_360 : vector<8x64xi32>
    %ne3A_362 = arith.constant 0 : i32
    %ne3A_363 = vector.broadcast %ne3A_362 : i32 to vector<8x64xi32>
    %ne3A_364 = arith.cmpi ne, %rem3A_361, %ne3A_363 : vector<8x64xi32>
    %lt3A_365 = arith.constant 0 : i32
    %lt3A_366 = vector.broadcast %lt3A_365 : i32 to vector<8x64xi32>
    %lt3A_367 = arith.cmpi slt, %rem3A_361, %lt3A_366 : vector<8x64xi32>
    %lt3A_368 = arith.constant 0 : i32
    %lt3A_369 = arith.cmpi slt, %select_n3A_359, %lt3A_368 : i32
    %ne3A_370 = vector.broadcast %lt3A_369 : i1 to vector<8x64xi1>
    %ne3A_371 = vector.broadcast %ne3A_370 : vector<8x64xi1> to vector<8x64xi1>
    %ne3A_372 = arith.xori %lt3A_367, %ne3A_371 : vector<8x64xi1>
    %and3A_373 = arith.andi %ne3A_372, %ne3A_364 : vector<8x64xi1>
    %add3A_374 = vector.broadcast %select_n3A_359 : i32 to vector<8x64xi32>
    %add3A_375 = arith.addi %rem3A_361, %add3A_374 : vector<8x64xi32>
    %select_n3A_376 = arith.select %and3A_373, %add3A_375, %rem3A_361 : vector<8x64xi1>, vector<8x64xi32>
    %eq3A_377 = arith.cmpi eq, %select_n3A_376, %iota3A_353 : vector<8x64xi32>
    %convert_element_type3A_378 = arith.extui %eq3A_377 : vector<8x64xi1> to vector<8x64xi32>
    %convert_element_type3A_379 = arith.sitofp %convert_element_type3A_378 : vector<8x64xi32> to vector<8x64xf32>
    %dot_general3A_380 = arith.constant dense<0.000000e+00> : vector<1x64xf32>
    %dot_general3A_381 = tpu.matmul %dot_general3A_352, %convert_element_type3A_379, %dot_general3A_380 {dimension_numbers = #tpu.dot_dimension_numbers<[1], [0], [0], [1], [0, 0, 1, 1], [], []>, precision = #tpu.contract_precision<fp32>, transpose_lhs_hint = false} : vector<1x8xf32>, vector<8x64xf32>, vector<1x64xf32> -> vector<1x64xf32>
    %add3A_382 = arith.addf %dot_general3A_307, %dot_general3A_381 : vector<1x64xf32>
    %add3A_383 = vector.broadcast %add3A_382 : vector<1x64xf32> to vector<512x64xf32>
    %add3A_384 = arith.addf %dot_general3A_188, %add3A_383 : vector<512x64xf32>
    %mul3A_385 = arith.mulf %select_n3A_181, %add3A_384 : vector<512x64xf32>
    %iota3A_386 = tpu.iota {dimensions = array<i32: 0>} : vector<64x8xi32>
    %iota3A_387 = tpu.iota {dimensions = array<i32: 1>} : vector<64x8xi32>
    %jit3A_388 = arith.constant 8 : i32
    %div3A_389 = vector.broadcast %jit3A_388 : i32 to vector<64x8xi32>
    %div3A_390 = arith.divsi %iota3A_386, %div3A_389 : vector<64x8xi32>
    %sign3A_391 = arith.constant 0 : i32
    %sign3A_392 = vector.broadcast %sign3A_391 : i32 to vector<64x8xi32>
    %sign3A_393 = arith.cmpi sgt, %iota3A_386, %sign3A_392 : vector<64x8xi32>
    %sign3A_394 = arith.extui %sign3A_393 : vector<64x8xi1> to vector<64x8xi32>
    %sign3A_395 = arith.constant 0 : i32
    %sign3A_396 = vector.broadcast %sign3A_395 : i32 to vector<64x8xi32>
    %sign3A_397 = arith.cmpi slt, %iota3A_386, %sign3A_396 : vector<64x8xi32>
    %sign3A_398 = arith.extui %sign3A_397 : vector<64x8xi1> to vector<64x8xi32>
    %sign3A_399 = arith.subi %sign3A_394, %sign3A_398 : vector<64x8xi32>
    %sign3A_400 = arith.constant 0 : i32
    %sign3A_401 = arith.cmpi sgt, %jit3A_388, %sign3A_400 : i32
    %sign3A_402 = arith.extui %sign3A_401 : i1 to i32
    %sign3A_403 = arith.constant 0 : i32
    %sign3A_404 = arith.cmpi slt, %jit3A_388, %sign3A_403 : i32
    %sign3A_405 = arith.extui %sign3A_404 : i1 to i32
    %sign3A_406 = arith.subi %sign3A_402, %sign3A_405 : i32
    %ne3A_407 = vector.broadcast %sign3A_406 : i32 to vector<64x8xi32>
    %ne3A_408 = arith.cmpi ne, %sign3A_399, %ne3A_407 : vector<64x8xi32>
    %rem3A_409 = vector.broadcast %jit3A_388 : i32 to vector<64x8xi32>
    %rem3A_410 = arith.remsi %iota3A_386, %rem3A_409 : vector<64x8xi32>
    %ne3A_411 = arith.constant 0 : i32
    %ne3A_412 = vector.broadcast %ne3A_411 : i32 to vector<64x8xi32>
    %ne3A_413 = arith.cmpi ne, %rem3A_410, %ne3A_412 : vector<64x8xi32>
    %and3A_414 = arith.andi %ne3A_408, %ne3A_413 : vector<64x8xi1>
    %sub3A_415 = arith.constant 1 : i32
    %sub3A_416 = vector.broadcast %sub3A_415 : i32 to vector<64x8xi32>
    %sub3A_417 = arith.subi %div3A_390, %sub3A_416 : vector<64x8xi32>
    %select_n3A_418 = arith.select %and3A_414, %sub3A_417, %div3A_390 : vector<64x8xi1>, vector<64x8xi32>
    %eq3A_419 = arith.cmpi eq, %select_n3A_418, %iota3A_387 : vector<64x8xi32>
    %convert_element_type3A_420 = arith.extui %eq3A_419 : vector<64x8xi1> to vector<64x8xi32>
    %convert_element_type3A_421 = arith.sitofp %convert_element_type3A_420 : vector<64x8xi32> to vector<64x8xf32>
    %dot_general3A_422 = arith.constant dense<0.000000e+00> : vector<512x8xf32>
    %dot_general3A_423 = tpu.matmul %mul3A_385, %convert_element_type3A_421, %dot_general3A_422 {dimension_numbers = #tpu.dot_dimension_numbers<[1], [0], [0], [1], [0, 0, 1, 1], [], []>, precision = #tpu.contract_precision<fp32>, transpose_lhs_hint = false} : vector<512x64xf32>, vector<64x8xf32>, vector<512x8xf32> -> vector<512x8xf32>
    %convert_element_type3A_424 = arith.fptosi %dot_general3A_423 : vector<512x8xf32> to vector<512x8xi32>
    %swap3A_425 = arith.constant 0 : index
    %swap3A_426 = arith.constant 0 : index
    %swap3A_427 = vector.load %arg3[%swap3A_425, %swap3A_426] : memref<512x8xi32, #tpu.memory_space<vmem>>, vector<512x8xi32>
    tpu.vector_store %arg3[%swap3A_425, %swap3A_426], %convert_element_type3A_424 {strides = array<i32>} : memref<512x8xi32, #tpu.memory_space<vmem>>, vector<512x8xi32>,
    %transpose3A = tpu.transpose %dot_general3A_352, [1, 0] : vector<1x8xf32> -> vector<8x1xf32>
    %iota3A_428 = tpu.iota {dimensions = array<i32: 1>} : vector<1x128xi32>
    %mul3A_429 = arith.constant 256 : i32
    %mul3A_430 = vector.broadcast %mul3A_429 : i32 to vector<1x128xi32>
    %mul3A_431 = arith.muli %iota3A_428, %mul3A_430 : vector<1x128xi32>
    %convert_element_type3A_432 = arith.sitofp %mul3A_431 : vector<1x128xi32> to vector<1x128xf32>
    %le3A = vector.broadcast %transpose3A : vector<8x1xf32> to vector<8x128xf32>
    %le3A_433 = vector.broadcast %convert_element_type3A_432 : vector<1x128xf32> to vector<8x128xf32>
    %le3A_434 = arith.cmpf ole, %le3A, %le3A_433 : vector<8x128xf32>
    %jit3A_435 = arith.constant 1.000000e+00 : f32
    %jit3A_436 = arith.constant 0.000000e+00 : f32
    %broadcast_in_dim3A_437 = vector.broadcast %jit3A_435 : f32 to vector<8x128xf32>
    %broadcast_in_dim3A_438 = vector.broadcast %jit3A_436 : f32 to vector<8x128xf32>
    %select_n3A_439 = arith.select %le3A_434, %broadcast_in_dim3A_437, %broadcast_in_dim3A_438 : vector<8x128xi1>, vector<8x128xf32>
    %reduce_sum3A_440 = arith.constant dense<0.000000e+00> : vector<128xf32>
    %reduce_sum3A_441 = vector.multi_reduction <add>, %select_n3A_439, %reduce_sum3A_440 [0] : vector<8x128xf32> to vector<128xf32>
    %broadcast_in_dim3A_442 = vector.shape_cast %reduce_sum3A_441 : vector<128xf32> to vector<1x128xf32>
    %sub3A_443 = arith.constant 1.000000e+00 : f32
    %sub3A_444 = vector.broadcast %sub3A_443 : f32 to vector<1x128xf32>
    %sub3A_445 = arith.subf %broadcast_in_dim3A_442, %sub3A_444 : vector<1x128xf32>
    %jit3A_446 = arith.constant 0.000000e+00 : f32
    %jit3A_447 = arith.constant 7.000000e+00 : f32
    %max3A = vector.broadcast %jit3A_446 : f32 to vector<1x128xf32>
    %max3A_448 = arith.maximumf %max3A, %sub3A_445 : vector<1x128xf32>
    %min3A = vector.broadcast %jit3A_447 : f32 to vector<1x128xf32>
    %min3A_449 = arith.minimumf %min3A, %max3A_448 : vector<1x128xf32>
    %slice3A = vector.extract_strided_slice %dot_general3A_352 {offsets = [0, 7], sizes = [1, 1], strides = [1, 1]} : vector<1x8xf32> to vector<1x1xf32>
    %slice3A_450 = vector.extract_strided_slice %mul3A_345 {offsets = [0, 7], sizes = [1, 1], strides = [1, 1]} : vector<1x8xf32> to vector<1x1xf32>
    %add3A_451 = arith.addf %slice3A, %slice3A_450 : vector<1x1xf32>
    %lt3A_452 = vector.broadcast %add3A_451 : vector<1x1xf32> to vector<1x128xf32>
    %lt3A_453 = arith.cmpf olt, %convert_element_type3A_432, %lt3A_452 : vector<1x128xf32>
    %jit3A_454 = arith.constant 1.000000e+00 : f32
    %jit3A_455 = arith.constant 0.000000e+00 : f32
    %broadcast_in_dim3A_456 = vector.broadcast %jit3A_454 : f32 to vector<1x128xf32>
    %broadcast_in_dim3A_457 = vector.broadcast %jit3A_455 : f32 to vector<1x128xf32>
    %select_n3A_458 = arith.select %lt3A_453, %broadcast_in_dim3A_456, %broadcast_in_dim3A_457 : vector<1x128xi1>, vector<1x128xf32>
    %concatenate3A_459 = tpu.concatenate %min3A_449, %select_n3A_458 in 0 : vector<1x128xf32>, vector<1x128xf32> -> vector<2x128xf32>
    %convert_element_type3A_460 = arith.fptosi %concatenate3A_459 : vector<2x128xf32> to vector<2x128xi32>
    %swap3A_461 = arith.constant 0 : index
    %swap3A_462 = arith.constant 0 : index
    %swap3A_463 = vector.load %arg5[%swap3A_461, %swap3A_462] : memref<2x128xi32, #tpu.memory_space<vmem>>, vector<2x128xi32>
    tpu.vector_store %arg5[%swap3A_461, %swap3A_462], %convert_element_type3A_460 {strides = array<i32>} : memref<2x128xi32, #tpu.memory_space<vmem>>, vector<2x128xi32>,
    return
  }
}

module attributes {stable_mosaic.version = 14 : i64} {
  func.func @_ffn_body(%arg0: i32, %arg1: memref<24xi32, #tpu.memory_space<smem>>, %arg2: memref<24xi32, #tpu.memory_space<smem>>, %arg3: memref<256x1024xf32, #tpu.memory_space<vmem>>, %arg4: memref<1x1024x1024xf32, #tpu.memory_space<vmem>>, %arg5: memref<1x1x1024xf32, #tpu.memory_space<vmem>>, %arg6: memref<1x1024x1024xf32, #tpu.memory_space<vmem>>, %arg7: memref<1x1x1024xf32, #tpu.memory_space<vmem>>, %arg8: memref<256x1024xf32, #tpu.memory_space<vmem>>) attributes {dimension_semantics = [#tpu.dimension_semantics<arbitrary>], iteration_bounds = array<i64: 24>, scalar_prefetch = 2 : i64, scratch_operands = 0 : i64, tpu.core_type = #tpu.core_type<tc>, window_params = [{transform_indices = @transform_0, window_bounds = array<i64: 256, 1024>}, {transform_indices = @transform_1, window_bounds = array<i64: 1, 1024, 1024>}, {transform_indices = @transform_2, window_bounds = array<i64: 1, 1, 1024>}, {transform_indices = @transform_3, window_bounds = array<i64: 1, 1024, 1024>}, {transform_indices = @transform_4, window_bounds = array<i64: 1, 1, 1024>}, {transform_indices = @transform_5, window_bounds = array<i64: 256, 1024>}]} {
    %get3A = arith.index_cast %arg0 : i32 to index
    %get3A_0 = memref.load %arg2[%get3A] : memref<24xi32, #tpu.memory_space<smem>>
    %gt3A = arith.constant 0 : i32
    %gt3A_1 = arith.cmpi sgt, %get3A_0, %gt3A : i32
    %convert_element_type3A = arith.extui %gt3A_1 : i1 to i32
    %cond3A = arith.constant 0 : i32
    %cond3A_2 = arith.cmpi ne, %convert_element_type3A, %cond3A : i32
    scf.if %cond3A_2 {
      %get3A_3 = arith.constant 0 : index
      %get3A_4 = arith.constant 0 : index
      %get3A_5 = vector.load %arg3[%get3A_3, %get3A_4] : memref<256x1024xf32, #tpu.memory_space<vmem>>, vector<256x1024xf32>
      %convert_element_type3A_6 = arith.truncf %get3A_5 : vector<256x1024xf32> to vector<256x1024xbf16>
      %get3A_7 = arith.constant 0 : index
      %get3A_8 = arith.constant 0 : index
      %get3A_9 = arith.constant 0 : index
      %get3A_10 = vector.load %arg4[%get3A_7, %get3A_8, %get3A_9] : memref<1x1024x1024xf32, #tpu.memory_space<vmem>>, vector<1x1024x1024xf32>
      %get3A_11 = vector.shape_cast %get3A_10 : vector<1x1024x1024xf32> to vector<1024x1024xf32>
      %convert_element_type3A_12 = arith.truncf %get3A_11 : vector<1024x1024xf32> to vector<1024x1024xbf16>
      %dot_general3A = arith.constant dense<0.000000e+00> : vector<256x1024xf32>
      %dot_general3A_13 = tpu.matmul %convert_element_type3A_6, %convert_element_type3A_12, %dot_general3A {dimension_numbers = #tpu.dot_dimension_numbers<[1], [1], [0], [0], [0, 0, 1, 0], [], []>, transpose_lhs_hint = false} : vector<256x1024xbf16>, vector<1024x1024xbf16>, vector<256x1024xf32> -> vector<256x1024xf32>
      %get3A_14 = arith.constant 0 : index
      %get3A_15 = arith.constant 0 : index
      %get3A_16 = arith.constant 0 : index
      %get3A_17 = vector.load %arg5[%get3A_14, %get3A_15, %get3A_16] : memref<1x1x1024xf32, #tpu.memory_space<vmem>>, vector<1x1x1024xf32>
      %get3A_18 = vector.shape_cast %get3A_17 : vector<1x1x1024xf32> to vector<1x1024xf32>
      %add3A = vector.broadcast %get3A_18 : vector<1x1024xf32> to vector<256x1024xf32>
      %add3A_19 = arith.addf %dot_general3A_13, %add3A : vector<256x1024xf32>
      %max3A = arith.constant 0.000000e+00 : f32
      %max3A_20 = vector.broadcast %max3A : f32 to vector<256x1024xf32>
      %max3A_21 = arith.maximumf %add3A_19, %max3A_20 : vector<256x1024xf32>
      %convert_element_type3A_22 = arith.truncf %max3A_21 : vector<256x1024xf32> to vector<256x1024xbf16>
      %get3A_23 = arith.constant 0 : index
      %get3A_24 = arith.constant 0 : index
      %get3A_25 = arith.constant 0 : index
      %get3A_26 = vector.load %arg6[%get3A_23, %get3A_24, %get3A_25] : memref<1x1024x1024xf32, #tpu.memory_space<vmem>>, vector<1x1024x1024xf32>
      %get3A_27 = vector.shape_cast %get3A_26 : vector<1x1024x1024xf32> to vector<1024x1024xf32>
      %convert_element_type3A_28 = arith.truncf %get3A_27 : vector<1024x1024xf32> to vector<1024x1024xbf16>
      %dot_general3A_29 = arith.constant dense<0.000000e+00> : vector<256x1024xf32>
      %dot_general3A_30 = tpu.matmul %convert_element_type3A_22, %convert_element_type3A_28, %dot_general3A_29 {dimension_numbers = #tpu.dot_dimension_numbers<[1], [1], [0], [0], [0, 0, 1, 0], [], []>, transpose_lhs_hint = false} : vector<256x1024xbf16>, vector<1024x1024xbf16>, vector<256x1024xf32> -> vector<256x1024xf32>
      %get3A_31 = arith.constant 0 : index
      %get3A_32 = arith.constant 0 : index
      %get3A_33 = arith.constant 0 : index
      %get3A_34 = vector.load %arg7[%get3A_31, %get3A_32, %get3A_33] : memref<1x1x1024xf32, #tpu.memory_space<vmem>>, vector<1x1x1024xf32>
      %get3A_35 = vector.shape_cast %get3A_34 : vector<1x1x1024xf32> to vector<1x1024xf32>
      %add3A_36 = vector.broadcast %get3A_35 : vector<1x1024xf32> to vector<256x1024xf32>
      %add3A_37 = arith.addf %dot_general3A_30, %add3A_36 : vector<256x1024xf32>
      %swap3A = arith.constant 0 : index
      %swap3A_38 = arith.constant 0 : index
      %swap3A_39 = vector.load %arg8[%swap3A, %swap3A_38] : memref<256x1024xf32, #tpu.memory_space<vmem>>, vector<256x1024xf32>
      tpu.vector_store %arg8[%swap3A, %swap3A_38], %add3A_37 {strides = array<i32>} : memref<256x1024xf32, #tpu.memory_space<vmem>>, vector<256x1024xf32>,
    } else {
    }
    return
  }
  func.func @transform_0(%arg0: i32, %arg1: memref<24xi32, #tpu.memory_space<smem>>, %arg2: memref<24xi32, #tpu.memory_space<smem>>) -> (i32, i32) {
    %c0_i32 = arith.constant 0 : i32
    %c0_i32_0 = arith.constant 0 : i32
    return %arg0, %c0_i32 : i32, i32
  }
  func.func @transform_1(%arg0: i32, %arg1: memref<24xi32, #tpu.memory_space<smem>>, %arg2: memref<24xi32, #tpu.memory_space<smem>>) -> (i32, i32, i32) {
    %get3A = arith.index_cast %arg0 : i32 to index
    %get3A_0 = memref.load %arg1[%get3A] : memref<24xi32, #tpu.memory_space<smem>>
    %c0_i32 = arith.constant 0 : i32
    %c0_i32_1 = arith.constant 0 : i32
    %c0_i32_2 = arith.constant 0 : i32
    return %get3A_0, %c0_i32, %c0_i32_1 : i32, i32, i32
  }
  func.func @transform_2(%arg0: i32, %arg1: memref<24xi32, #tpu.memory_space<smem>>, %arg2: memref<24xi32, #tpu.memory_space<smem>>) -> (i32, i32, i32) {
    %get3A = arith.index_cast %arg0 : i32 to index
    %get3A_0 = memref.load %arg1[%get3A] : memref<24xi32, #tpu.memory_space<smem>>
    %c0_i32 = arith.constant 0 : i32
    %c0_i32_1 = arith.constant 0 : i32
    %c0_i32_2 = arith.constant 0 : i32
    return %get3A_0, %c0_i32, %c0_i32_1 : i32, i32, i32
  }
  func.func @transform_3(%arg0: i32, %arg1: memref<24xi32, #tpu.memory_space<smem>>, %arg2: memref<24xi32, #tpu.memory_space<smem>>) -> (i32, i32, i32) {
    %get3A = arith.index_cast %arg0 : i32 to index
    %get3A_0 = memref.load %arg1[%get3A] : memref<24xi32, #tpu.memory_space<smem>>
    %c0_i32 = arith.constant 0 : i32
    %c0_i32_1 = arith.constant 0 : i32
    %c0_i32_2 = arith.constant 0 : i32
    return %get3A_0, %c0_i32, %c0_i32_1 : i32, i32, i32
  }
  func.func @transform_4(%arg0: i32, %arg1: memref<24xi32, #tpu.memory_space<smem>>, %arg2: memref<24xi32, #tpu.memory_space<smem>>) -> (i32, i32, i32) {
    %get3A = arith.index_cast %arg0 : i32 to index
    %get3A_0 = memref.load %arg1[%get3A] : memref<24xi32, #tpu.memory_space<smem>>
    %c0_i32 = arith.constant 0 : i32
    %c0_i32_1 = arith.constant 0 : i32
    %c0_i32_2 = arith.constant 0 : i32
    return %get3A_0, %c0_i32, %c0_i32_1 : i32, i32, i32
  }
  func.func @transform_5(%arg0: i32, %arg1: memref<24xi32, #tpu.memory_space<smem>>, %arg2: memref<24xi32, #tpu.memory_space<smem>>) -> (i32, i32) {
    %c0_i32 = arith.constant 0 : i32
    %c0_i32_0 = arith.constant 0 : i32
    return %arg0, %c0_i32 : i32, i32
  }
}

module attributes {stable_mosaic.version = 14 : i64} {
  func.func @_add_body(%arg0: i32, %arg1: memref<512x1024xf32, #tpu.memory_space<vmem>>, %arg2: memref<512x1024xf32, #tpu.memory_space<vmem>>, %arg3: memref<512x2xf32, #tpu.memory_space<vmem>>, %arg4: memref<512x1024xf32, #tpu.memory_space<vmem>>) attributes {dimension_semantics = [#tpu.dimension_semantics<arbitrary>], iteration_bounds = array<i64: 4>, scalar_prefetch = 0 : i64, scratch_operands = 0 : i64, tpu.core_type = #tpu.core_type<tc>, window_params = [{transform_indices = @transform_0, window_bounds = array<i64: 512, 1024>}, {transform_indices = @transform_1, window_bounds = array<i64: 512, 1024>}, {transform_indices = @transform_2, window_bounds = array<i64: 512, 2>}, {transform_indices = @transform_3, window_bounds = array<i64: 512, 1024>}]} {
    %get3A = arith.constant 0 : index
    %get3A_0 = arith.constant 0 : index
    %get3A_1 = vector.load %arg3[%get3A, %get3A_0] : memref<512x2xf32, #tpu.memory_space<vmem>>, vector<512x2xf32>
    %get3A_2 = arith.constant 0 : index
    %get3A_3 = arith.constant 0 : index
    %get3A_4 = vector.load %arg1[%get3A_2, %get3A_3] : memref<512x1024xf32, #tpu.memory_space<vmem>>, vector<512x1024xf32>
    %slice3A = vector.extract_strided_slice %get3A_1 {offsets = [0, 0], sizes = [512, 1], strides = [1, 1]} : vector<512x2xf32> to vector<512x1xf32>
    %mul3A = vector.broadcast %slice3A : vector<512x1xf32> to vector<512x1024xf32>
    %mul3A_5 = arith.mulf %get3A_4, %mul3A : vector<512x1024xf32>
    %get3A_6 = arith.constant 0 : index
    %get3A_7 = arith.constant 0 : index
    %get3A_8 = vector.load %arg2[%get3A_6, %get3A_7] : memref<512x1024xf32, #tpu.memory_space<vmem>>, vector<512x1024xf32>
    %slice3A_9 = vector.extract_strided_slice %get3A_1 {offsets = [0, 1], sizes = [512, 1], strides = [1, 1]} : vector<512x2xf32> to vector<512x1xf32>
    %mul3A_10 = vector.broadcast %slice3A_9 : vector<512x1xf32> to vector<512x1024xf32>
    %mul3A_11 = arith.mulf %get3A_8, %mul3A_10 : vector<512x1024xf32>
    %add3A = arith.addf %mul3A_5, %mul3A_11 : vector<512x1024xf32>
    %swap3A = arith.constant 0 : index
    %swap3A_12 = arith.constant 0 : index
    %swap3A_13 = vector.load %arg4[%swap3A, %swap3A_12] : memref<512x1024xf32, #tpu.memory_space<vmem>>, vector<512x1024xf32>
    tpu.vector_store %arg4[%swap3A, %swap3A_12], %add3A {strides = array<i32>} : memref<512x1024xf32, #tpu.memory_space<vmem>>, vector<512x1024xf32>,
    return
  }
  func.func @transform_0(%arg0: i32) -> (i32, i32) {
    %c0_i32 = arith.constant 0 : i32
    %c0_i32_0 = arith.constant 0 : i32
    return %arg0, %c0_i32 : i32, i32
  }
  func.func @transform_1(%arg0: i32) -> (i32, i32) {
    %c0_i32 = arith.constant 0 : i32
    %c0_i32_0 = arith.constant 0 : i32
    return %arg0, %c0_i32 : i32, i32
  }
  func.func @transform_2(%arg0: i32) -> (i32, i32) {
    %c0_i32 = arith.constant 0 : i32
    %c0_i32_0 = arith.constant 0 : i32
    return %arg0, %c0_i32 : i32, i32
  }
  func.func @transform_3(%arg0: i32) -> (i32, i32) {
    %c0_i32 = arith.constant 0 : i32
    %c0_i32_0 = arith.constant 0 : i32
    return %arg0, %c0_i32 : i32, i32
  }
}

</mosaic_0001>

<sc_bundles>
// kernel: kernel.10.cloned.1.call-start
scs
__scs_entry_jumppad:
0x0: {  	(pc) =	sbr.rel $0x88, $3  }
0x1: {  	(tag) =	ssettag $0x0;
	lr =	simm.s32 $0x1  }
0x2: {  	[smem:$0x3F9A] =	sst lr;
	_ =	strace $0xD0000000  }
0x3: {  	_ = 	snop  }
0x4: {  	_ = 	snop  }
0x5: {  	_ = 	snop  }
0x6: {  	_ = 	snop  }
0x7: {  	_ = 	snop  }
__scs_overlays_trampoline_lowered:
0x8: {  	[smem:$0x3FA9] =	sst s0  }
0x9: {  	[smem:$0x3FAA] =	sst s1  }
0xa: {  	[smem:$0x3FAB] =	sst s2  }
0xb: {  	[smem:$0x3FAC] =	sst s3  }
0xc: {  	[smem:$0x3FAD] =	sst s4  }
0xd: {  	[smem:$0x3FAE] =	sst s5  }
0xe: {  	[smem:$0x3FAF] =	sst s6  }
0xf: {  	[smem:$0x3FB0] =	sst s7  }
0x10: {  	[smem:$0x3FB1] =	sst s8  }
0x11: {  	[smem:$0x3FB2] =	sst s9;
	s0 =	simm.s32 @!p0 $0x0  }
0x12: {  	s1 =	sld [smem:$0x3F98];
	s0 =	simm.s32 @p0 $0x1  }
0x13: {  	[smem:$0x3FB3] =	sst s0;
	s0 =	simm.s32 @!p1 $0x0  }
0x14: {  	s2 =	sld [smem:$0x3F97];
	s0 =	simm.s32 @p1 $0x1  }
0x15: {  	[smem:$0x3FB4] =	sst s0;
	s0 =	simm.s32 @!p2 $0x0  }
0x16: {  	s3 =	sld [smem:$0x3FDB];
	s0 =	simm.s32 @p2 $0x1  }
0x17: {  	s4 =	simm.s32 $0x1BF5;
	[smem:$0x3FB6] =	sst s0  }
0x18: {  	s0 =	sld [smem:$0x3F99];
	_ =	swait.ge [sflag:s4], $0x0  }
0x19: {  	s7 =	sld [smem:$0x3F9A]  }
0x1a: {  	s8 =	sadd.s32 $0xFFFFE003, lr  }
0x1b: {  	s9 =	sadd.s32 $0xFFFFFEF7, lr;
	s5 =	simm.s32 $0xFFFFFFFF;
	p2 =	slt.u32 s8, $0xFFFFF086  }
0x1c: {  	p1 =	slt.u32 s9, $0xF7A;
	s5 =	simm.s32 @!p2 $0x0  }
0x1d: {  	s5 =	simm.s32 @p1 $0x1;
	p0 =	seq.s32 s7, s2  }
0x1e: {  	s7 =	smul.u32 @!p0 $0xF7A, s2;
	p2 =	seq.s32 @!p0 s5, $0x0  }
0x1f: {  	s9 =	smul.u32 $0xF7A, s1;
	s8 =	simm.s32 @!p0 $0x1BF5;
	p2 =	por !p2, p0  }
0x20: {  	[sflag:s8] =	ssyncset.s32 @!p0 $0xFFFFF086;
	s6 =	sadd.s32 @!p0 s3, s7;
	s7 =	simm.s32 @!p0 $0x108  }
0x21: {  	s3 =	sadd.s32 s3, s9;
	s6 =	sadd.s32 @!p0 $0x88, s6;
	s7 =	simm.s32 @p2 $0x1082  }
0x22: {  	[simem:s7], [sflag:s8] =	dma.local @!p0 [hbm:s6], $0xF7A  }
0x23: {  	s9 =	sor.u32 $0xD0000000, s2;
	s6 =	simm.s32 $0x108;
	_ =	swait.ge @!p0 [sflag:s8], $0x0  }
0x24: {  	s3 =	sadd.s32 $0x88, s3;
	s6 =	simm.s32 @!p1 $0x1082;
	[sflag:s4] =	ssyncset.s32 $0xFFFFF086  }
0x25: {  	[simem:s6], [sflag:s4] =	dma.local [hbm:s3], $0xF7A  }
0x26: {  	[smem:$0x3F9A] =	sst s1;
	(tag) =	ssettag s2;
	_ =	strace s9  }
0x27: {  	s1 =	sld [smem:$0x3FAA]  }
0x28: {  	s2 =	sld [smem:$0x3FAB]  }
0x29: {  	s4 =	sld [smem:$0x3FAD]  }
0x2a: {  	p0 =	seq.s32 s5, $0x0;
	s5 =	sld [smem:$0x3FAE]  }
0x2b: {  	s6 =	sld [smem:$0x3FAF]  }
0x2c: {  	s7 =	sld [smem:$0x3FB0]  }
0x2d: {  	s3 =	simm.s32 $0x108;
	s8 =	sld [smem:$0x3FB1]  }
0x2e: {  	s3 =	simm.s32 @!p0 $0x1082;
	s9 =	sld [smem:$0x3FB2]  }
0x2f: {  	lr =	sadd.s32 s0, s3;
	s0 =	sld [smem:$0x3FA9]  }
0x30: {  	s3 =	sld [smem:$0x3FAC]  }
0x31: {  	[smem:$0x3FB5] =	sst s10  }
0x32: {  	s10 =	sld [smem:$0x3FB3];
	_ =	sdelay $0x3  }
0x33: {  	p0 =	seq.s32 s10, $0x1;
	s10 =	sld [smem:$0x3FB5];
	_ =	sdelay $0x3  }
0x34: {  	[smem:$0x3FB5] =	sst s10  }
0x35: {  	s10 =	sld [smem:$0x3FB4];
	_ =	sdelay $0x3  }
0x36: {  	p1 =	seq.s32 s10, $0x1;
	s10 =	sld [smem:$0x3FB5];
	_ =	sdelay $0x3  }
0x37: {  	[smem:$0x3FB5] =	sst s10  }
0x38: {  	s10 =	sld [smem:$0x3FB6]  }
0x39: {  	_ = 	snop;
	(pc) =	sbr.ind lr, $3  }
0x3a: {  	_ = 	snop  }
0x3b: {  	_ = 	snop  }
0x3c: {  	p2 =	seq.s32 s10, $0x1;
	s10 =	sld [smem:$0x3FB5]  }
0x3d: {  	_ =	shalt  }
0x3e: {  	_ =	shalt  }
0x3f: {  	_ =	shalt  }
0x40: {  	_ =	shalt  }
0x41: {  	_ =	shalt  }
0x42: {  	_ =	shalt  }
0x43: {  	_ =	shalt  }
0x44: {  	_ =	shalt  }
0x45: {  	_ =	shalt  }
0x46: {  	_ =	shalt  }
0x47: {  	_ =	shalt  }
0x48: {  	_ =	shalt  }
0x49: {  	_ =	shalt  }
0x4a: {  	_ =	shalt  }
0x4b: {  	_ =	shalt  }
0x4c: {  	_ =	shalt  }
0x4d: {  	_ =	shalt  }
0x4e: {  	_ =	shalt  }
0x4f: {  	_ =	shalt  }
0x50: {  	_ =	shalt  }
0x51: {  	_ =	shalt  }
0x52: {  	_ =	shalt  }
0x53: {  	_ =	shalt  }
0x54: {  	_ =	shalt  }
0x55: {  	_ =	shalt  }
0x56: {  	_ =	shalt  }
0x57: {  	_ =	shalt  }
0x58: {  	_ =	shalt  }
0x59: {  	_ =	shalt  }
0x5a: {  	_ =	shalt  }
0x5b: {  	_ =	shalt  }
0x5c: {  	_ =	shalt  }
0x5d: {  	_ =	shalt  }
0x5e: {  	_ =	shalt  }
0x5f: {  	_ =	shalt  }
0x60: {  	_ =	shalt  }
0x61: {  	_ =	shalt  }
0x62: {  	_ =	shalt  }
0x63: {  	_ =	shalt  }
0x64: {  	_ =	shalt  }
0x65: {  	_ =	shalt  }
0x66: {  	_ =	shalt  }
0x67: {  	_ =	shalt  }
0x68: {  	_ =	shalt  }
0x69: {  	_ =	shalt  }
0x6a: {  	_ =	shalt  }
0x6b: {  	_ =	shalt  }
0x6c: {  	_ =	shalt  }
0x6d: {  	_ =	shalt  }
0x6e: {  	_ =	shalt  }
0x6f: {  	_ =	shalt  }
0x70: {  	_ =	shalt  }
0x71: {  	_ =	shalt  }
0x72: {  	_ =	shalt  }
0x73: {  	_ =	shalt  }
0x74: {  	_ =	shalt  }
0x75: {  	_ =	shalt  }
0x76: {  	_ =	shalt  }
0x77: {  	_ =	shalt  }
0x78: {  	_ =	shalt  }
0x79: {  	_ =	shalt  }
0x7a: {  	_ =	shalt  }
0x7b: {  	_ =	shalt  }
0x7c: {  	_ =	shalt  }
0x7d: {  	_ =	shalt  }
0x7e: {  	_ =	shalt  }
0x7f: {  	_ =	shalt  }
0x80: {  	_ =	shalt  }
0x81: {  	_ =	shalt  }
0x82: {  	_ =	shalt  }
0x83: {  	_ =	shalt  }
0x84: {  	_ =	shalt  }
0x85: {  	_ =	shalt  }
0x86: {  	_ =	shalt  }
0x87: {  	_ =	shalt  }
.Lfunc_end0:
.L_simem_size_0:
called_computation.1_lowered:
.L_overlay_start_0:
0x88: {  	s2 =	sld [smem:$0x3FD9]  }
0x89: {  	s3 =	sld [smem:$0x3FFE];
	_ =	sdelay $0x1  }
0x8a: {  	s1 =	srdreg.scid  }
0x8b: {  	s0 =	sand.u32 $0x1, s1  }
0x8c: {  	s17 =	sshll.u32 s0, $0xA;
	s2 =	sadd.s32 s3, s2  }
0x8d: {  	s2 =	sadd.s32 s2, s17  }
0x8e: {  	[smem:$0x3FC1] =	sst s2  }
0x8f: {  	_ = 	snop  }
0x90: {  	s2 =	sld [smem:$0x3FD0];
	(tm) =	ssettm $0x1  }
0x91: {  	s18 =	sld [smem:$0x3FFB];
	_ =	sdelay $0x3  }
0x92: {  	_ =	strace s18  }
0x93: {  	s3 =	sld [smem:$0x3FFC];
	_ =	sdelay $0x3  }
0x94: {  	_ =	strace s3  }
0x95: {  	s3 =	sld [smem:$0x3FFD];
	_ =	sdelay $0x3  }
0x96: {  	_ =	strace s3  }
0x97: {  	_ =	strace $0x8FFFFFFF  }
0x98: {  	s19 =	sld [smem:$0x3FDB];
	_ =	sdelay $0x1  }
0x99: {  	s4 =	simm.s32 $_scs_section_size  }
0x9a: {  	s5 =	simm.s32 $_size__tile_overlayer_lowered;
	s6 =	simm.s32 $_tile_overlayer_lowered  }
0x9b: {  	s22 =	simm.s32 $0x1BFF;
	s21 =	sshll.u32 s6, $0x1;
	s3 =	sadd.s32 s4, s19  }
0x9c: {  	s7 =	simm.s32 $0x0;
	s20 =	sshll.u32 s5, $0x1;
	s5 =	sadd.s32 s21, s3  }
0x9d: {  	[timem:s7], [sflag:s22] =	dma.local [hbm:s5], s20  }
0x9e: {  	_ =	swait.ge [sflag:s22], s20  }
0x9f: {  	s4 =	ssub.s32 $0x0, s20;
	[sflag:s22] =	ssyncset.done $0x0  }
0xa0: {  	[sflag:s22] =	ssyncadd.s32 s4;
	_ =	sdelay $0x1  }
0xa1: {  	s23 =	simm.s32 $0x1B8B  }
0xa2: {  	_ =	swait.ge [sflag:s23], $0x1  }
0xa3: {  	[sflag:s23] =	ssyncset.done $0x0  }
0xa4: {  	s25 =	simm.s32 $0x1B8E;
	s24 =	sld [smem:$0x3FFE];
	[sflag:s23] =	ssyncadd.s32 $0xFFFFFFFF  }
0xa5: {  	s26 =	simm.s32 $execute0_lowered;
	[smem:$0x3FD2] =	sst s25  }
0xa6: {  	s5 =	sshll.u32 s26, $0x1;
	_ =	strace $0x80000049;
	[dreg:$0x1] =	wrdreg $0xFFFFFFFF  }
0xa7: {  	s28 =	simm.s32 $_size_execute0_lowered;
	s3 =	sadd.s32 s3, s5;
	[dreg:$0x0] =	wrdreg $0x0  }
0xa8: {  	s5 =	sshll.u32 s28, $0x1;
	[dreg:$0x2] =	wrdreg s3  }
0xa9: {  	[dreg:$0x3] =	wrdreg s5  }
0xaa: {  	[dreg:$0x4] =	wrdreg $0xC0  }
0xab: {  	_ =	task [dreg:s7], $0x5FFFF  }
0xac: {  	[dreg:$0x1] =	wrdreg $0xFFFFFFFF  }
0xad: {  	[dreg:$0x0] =	wrdreg $0x60  }
0xae: {  	[dreg:$0x2] =	wrdreg s24  }
0xaf: {  	[dreg:$0x3] =	wrdreg s2  }
0xb0: {  	[dreg:$0x4] =	wrdreg $0x9  }
0xb1: {  	_ =	task.clear_ibuf [dreg:s7], $0x5FFFF;
	_ =	strace $0x90000049  }
0xb2: {  	s29 =	simm.s32 $0x9;
	_ =	strace $0x8000004B  }
0xb3: {  	_ =	swait.ge [sflag:s29], $0x1  }
0xb4: {  	[sflag:s29] =	ssyncadd.s32 $0xFFFFFFFF  }
0xb5: {  	_ =	strace $0x9000004B  }
0xb6: {  	_ =	sfence  }
0xb7: {  	s30 =	sld [smem:$0x0];
	_ =	sdelay $0x2  }
0xb8: {  	s31 =	sshll.u32 s1, $0xD;
	s1 =	sshrl.u32 s1, $0x2  }
0xb9: {  	s3 =	sand.u32 $0x4000, s31;
	s1 =	sadd.s32 s1, s30  }
0xba: {  	s0 =	sor.u32 s3, s0;
	s1 =	sshll.u32 s1, $0x11  }
0xbb: {  	s0 =	sor.u32 s1, s0  }
0xbc: {  	s0 =	sadd.s32 $0x8F2B, s0  }
0xbd: {  	[sflag:s0] =	ssyncadd.remote.s32 $0x1  }
0xbe: {  	_ =	sfence.sel $0xFFFF  }
0xbf: {  	[dreg:$0x0] =	wrdreg $0xFFFFFFFF;
	(pc) =	sbr.abs _section_cstart, $3  }
0xc0: {  	[dreg:$0x1] =	wrdreg $0xFFFFFFFF  }
0xc1: {  	_ =	task.clear_ibuf [dreg:s7], $0x2FFFF;
	_ =	strace $0x9FFFFFFF  }
0xc2: {  	(tm) =	ssettm $0x7FFFFFFF  }
0xc3: {  	_ =	shalt  }
tec
execute0_lowered:
.L_overlay_start_1:
0x0: {  	(tag) =	ssettag $0x1  }
0x1: {  	s0 =	rddreg [dreg:$0x0]  }
0x2: {  	s1 =	rddreg [dreg:$0x1]  }
0x3: {  	s3 =	srdreg.scid;
	s2 =	simm.s32 $0x0;
	s5 =	stileid.u32  }
0x4: {  	s18 =	simm.s32 $0x1;
	s28 =	simm.s32 $0x2800;
	s29 =	simm.s32 $0x3000  }
0x5: {  	s30 =	simm.s32 $0x3800;
	s31 =	simm.s32 $0x4000;
	s12 =	simm.s32 $0x7000  }
0x6: {  	s13 =	simm.s32 $0x7800;
	s14 =	simm.s32 $0x8800;
	s15 =	simm.s32 $0x9000  }
0x7: {  	s16 =	simm.s32 $0x9800;
	s17 =	simm.s32 $0xA000;
	s4 =	sand.u32 $0x1, s3  }
0x8: {  	[smem:$0x7FF] =	sst s2;
	s5 =	sshll.u32 s5, $0x7;
	s3 =	sadd.s32 $0xC2000, s0  }
0x9: {  	s19 =	sadd.s32 $0x1C00, s0;
	s7 =	sadd.s32 $0x1E00, s0;
	s6 =	sshll.u32 s4, $0x6  }
0xa: {  	s9 =	sadd.s32 $0x2000, s0;
	s4 =	ssub.s32 $0x2, s4;
	s5 =	sor.u32 s6, s5  }
0xb: {  	_ =	strace $0x8000004A;
	s11 =	sshrl.u32 s4, $0x1;
	s8 =	sshrl.u32 s5, $0x3  }
0xc: {  	s20 =	sshll.u32 s5, $0x7;
	s5 =	sor.u32 $0x20, s5;
	s25 =	ssub.s32 s4, s11  }
0xd: {  	s4 =	sadd.s32 $0xC2100, s0;
	s11 =	simm.s32 $0x6800;
	s10 =	sadd.s32 s19, s8  }
0xe: {  	s8 =	sadd.s32 s7, s8;
	s21 =	sadd.s32 s1, s20;
	[dreg:$0x3] =	wrdreg s10  }
0xf: {  	s22 =	sadd.s32 s9, s20;
	s23 =	sshrl.u32 s5, $0x3;
	[dreg:$0x4] =	wrdreg s8  }
0x10: {  	s5 =	sshll.u32 s5, $0x7;
	s20 =	simm.s32 $0x10000;
	[dreg:$0x5] =	wrdreg s21  }
0x11: {  	[dreg:$0x6] =	wrdreg s22;
	s6 =	sadd.s32 s19, s23;
	s24 =	sadd.s32 s7, s23  }
0x12: {  	s1 =	sadd.s32 s1, s5;
	s26 =	sadd.s32 s9, s5;
	s5 =	sadd.s32 $0xC2200, s0  }
0x13: {  	s7 =	smax.u32 s25, $0x1;
	s9 =	simm.s32 $0x2;
	s21 =	simm.s32 $0x10080  }
0x14: {  	s22 =	simm.s32 $0x800;
	s23 =	simm.s32 $0x1000;
	[dreg:$0x7] =	wrdreg s6  }
0x15: {  	v2 =	vlaneseq.u32;
	s25 =	simm.s32 $0x2000;
	s8 =	simm.s32 $0x5800;
	[dreg:$0x8] =	wrdreg s24  }
0x16: {  	vm0 =	vmmov $0xffff;
	v1 =	vshrl.u32 v2, $0x3;
	s10 =	simm.s32 $0x6000;
	[dreg:$0x9] =	wrdreg s1;
	s6 =	sadd.s32 $0xC2300, s0  }
0x17: {  	v0 =	vand.u32 $0x7, v2;
	v2 =	vor.u32 $0x8, v2;
	v1 =	vmul.u32 $0x8, v1;
	[dreg:$0xa] =	wrdreg s26;
	s24 =	simm.s32 $0x1800;
	s26 =	simm.s32 $0xA800  }
.LBB2_1:
0x18: {  	s19 =	rddreg [dreg:$0x3]  }
0x19: {  	[tilespmem:s20], [sflag:$0x2] =	stream.linear.gather [hbm4b:s19+s2], $0x20, $0x38;
	[tilespmem:$0x10100] =	vst v63  }
0x1a: {  	_ =	swait.ge [sflag:s9], $0x20  }
0x1b: {  	[sflag:s9] =	ssyncset.done $0x0  }
0x1c: {  	s1 =	rddreg [dreg:$0x4];
	[sflag:s9] =	ssyncadd.s32 $0xFFFFFFE0  }
0x1d: {  	[tilespmem:s21], [sflag:$0x2] =	stream.linear.gather [hbm4b:s1+s2], $0x20, $0x38;
	[tilespmem:$0x10100] =	vst v63  }
0x1e: {  	_ =	swait.ge [sflag:s9], $0x20  }
0x1f: {  	[sflag:s9] =	ssyncset.done $0x0  }
0x20: {  	[sflag:s9] =	ssyncadd.s32 $0xFFFFFFE0  }
0x21: {  	v3 =	vld [tilespmem:$0x10000];
	_ =	sdelay $0x4  }
0x22: {  	v4 =	vshll.u32 v3, $0x3  }
0x23: {  	v3 =	vand.u32 $0x7, v3;
	v4 =	vand.u32 $0xFFFFFFC0, v4  }
0x24: {  	v3 =	vor.u32 v3, v4  }
0x25: {  	v4 =	vperm.xlane v3, v0;
	_ =	sdelay $0x1  }
0x26: {  	v4 =	vadd.s32 v1, v4;
	_ =	sdelay $0x4  }
0x27: {  	[tilespmem:s2], [sflag:$0x1] =	stream.indirect_vreg.gather [hbm4b:s3+s2], $0x80, v4, vm0, $0xb8;
	[tilespmem:$0x10100] =	vst v63  }
0x28: {  	v3 =	vperm.xlane v3, v2  }
0x29: {  	[tilespmem:s22], [sflag:$0x1] =	stream.indirect_vreg.gather [hbm4b:s4+s2], $0x80, v4, vm0, $0xb8;
	[tilespmem:$0x10100] =	vst v63  }
0x2a: {  	v3 =	vadd.s32 v1, v3  }
0x2b: {  	[tilespmem:s23], [sflag:$0x1] =	stream.indirect_vreg.gather [hbm4b:s5+s2], $0x80, v4, vm0, $0xb8;
	[tilespmem:$0x10100] =	vst v63  }
0x2c: {  	_ = 	snop  }
0x2d: {  	[tilespmem:s24], [sflag:$0x1] =	stream.indirect_vreg.gather [hbm4b:s6+s2], $0x80, v4, vm0, $0xb8;
	[tilespmem:$0x10100] =	vst v63  }
0x2e: {  	_ = 	snop  }
0x2f: {  	[tilespmem:s25], [sflag:$0x1] =	stream.indirect_vreg.gather [hbm4b:s3+s2], $0x80, v3, vm0, $0xb8;
	[tilespmem:$0x10100] =	vst v63  }
0x30: {  	_ = 	snop  }
0x31: {  	[tilespmem:s28], [sflag:$0x1] =	stream.indirect_vreg.gather [hbm4b:s4+s2], $0x80, v3, vm0, $0xb8;
	[tilespmem:$0x10100] =	vst v63  }
0x32: {  	_ = 	snop  }
0x33: {  	[tilespmem:s29], [sflag:$0x1] =	stream.indirect_vreg.gather [hbm4b:s5+s2], $0x80, v3, vm0, $0xb8;
	[tilespmem:$0x10100] =	vst v63  }
0x34: {  	_ = 	snop  }
0x35: {  	[tilespmem:s30], [sflag:$0x1] =	stream.indirect_vreg.gather [hbm4b:s6+s2], $0x80, v3, vm0, $0xb8;
	[tilespmem:$0x10100] =	vst v63  }
0x36: {  	v3 =	vld [tilespmem:$0x10010];
	_ =	sdelay $0x4  }
0x37: {  	v57 =	vshll.u32 v3, $0x3  }
0x38: {  	v3 =	vand.u32 $0x7, v3;
	v4 =	vand.u32 $0xFFFFFFC0, v57  }
0x39: {  	v3 =	vor.u32 v3, v4  }
0x3a: {  	v4 =	vperm.xlane v3, v0;
	_ =	sdelay $0x1  }
0x3b: {  	v4 =	vadd.s32 v1, v4;
	_ =	sdelay $0x4  }
0x3c: {  	[tilespmem:s31], [sflag:$0x1] =	stream.indirect_vreg.gather [hbm4b:s3+s2], $0x80, v4, vm0, $0xb8;
	[tilespmem:$0x10100] =	vst v63  }
0x3d: {  	s0 =	simm.s32 $0x4800;
	v3 =	vperm.xlane v3, v2  }
0x3e: {  	[tilespmem:s0], [sflag:$0x1] =	stream.indirect_vreg.gather [hbm4b:s4+s2], $0x80, v4, vm0, $0xb8;
	[tilespmem:$0x10100] =	vst v63  }
0x3f: {  	s1 =	simm.s32 $0x5000;
	v3 =	vadd.s32 v1, v3  }
0x40: {  	[tilespmem:s1], [sflag:$0x1] =	stream.indirect_vreg.gather [hbm4b:s5+s2], $0x80, v4, vm0, $0xb8;
	[tilespmem:$0x10100] =	vst v63  }
0x41: {  	_ = 	snop  }
0x42: {  	[tilespmem:s8], [sflag:$0x1] =	stream.indirect_vreg.gather [hbm4b:s6+s2], $0x80, v4, vm0, $0xb8;
	[tilespmem:$0x10100] =	vst v63  }
0x43: {  	_ = 	snop  }
0x44: {  	[tilespmem:s10], [sflag:$0x1] =	stream.indirect_vreg.gather [hbm4b:s3+s2], $0x80, v3, vm0, $0xb8;
	[tilespmem:$0x10100] =	vst v63  }
0x45: {  	_ = 	snop  }
0x46: {  	[tilespmem:s11], [sflag:$0x1] =	stream.indirect_vreg.gather [hbm4b:s4+s2], $0x80, v3, vm0, $0xb8;
	[tilespmem:$0x10100] =	vst v63  }
0x47: {  	_ = 	snop  }
0x48: {  	[tilespmem:s12], [sflag:$0x1] =	stream.indirect_vreg.gather [hbm4b:s5+s2], $0x80, v3, vm0, $0xb8;
	[tilespmem:$0x10100] =	vst v63  }
0x49: {  	_ = 	snop  }
0x4a: {  	[tilespmem:s13], [sflag:$0x1] =	stream.indirect_vreg.gather [hbm4b:s6+s2], $0x80, v3, vm0, $0xb8;
	[tilespmem:$0x10100] =	vst v63  }
0x4b: {  	v3 =	vld [tilespmem:$0x10080];
	_ =	sdelay $0x4  }
0x4c: {  	v58 =	vshll.u32 v3, $0x3  }
0x4d: {  	v3 =	vand.u32 $0x7, v3;
	v4 =	vand.u32 $0xFFFFFFC0, v58  }
0x4e: {  	v3 =	vor.u32 v3, v4  }
0x4f: {  	v4 =	vperm.xlane v3, v0;
	_ =	sdelay $0x1  }
0x50: {  	v4 =	vadd.s32 v1, v4;
	_ =	sdelay $0x3  }
0x51: {  	s0 =	simm.s32 $0x8000  }
0x52: {  	[tilespmem:s0], [sflag:$0x1] =	stream.indirect_vreg.gather [hbm4b:s3+s2], $0x80, v4, vm0, $0xb8;
	[tilespmem:$0x10100] =	vst v63  }
0x53: {  	v3 =	vperm.xlane v3, v2  }
0x54: {  	[tilespmem:s14], [sflag:$0x1] =	stream.indirect_vreg.gather [hbm4b:s4+s2], $0x80, v4, vm0, $0xb8;
	[tilespmem:$0x10100] =	vst v63  }
0x55: {  	v3 =	vadd.s32 v1, v3  }
0x56: {  	[tilespmem:s15], [sflag:$0x1] =	stream.indirect_vreg.gather [hbm4b:s5+s2], $0x80, v4, vm0, $0xb8;
	[tilespmem:$0x10100] =	vst v63  }
0x57: {  	_ = 	snop  }
0x58: {  	[tilespmem:s16], [sflag:$0x1] =	stream.indirect_vreg.gather [hbm4b:s6+s2], $0x80, v4, vm0, $0xb8;
	[tilespmem:$0x10100] =	vst v63  }
0x59: {  	_ = 	snop  }
0x5a: {  	[tilespmem:s17], [sflag:$0x1] =	stream.indirect_vreg.gather [hbm4b:s3+s2], $0x80, v3, vm0, $0xb8;
	[tilespmem:$0x10100] =	vst v63  }
0x5b: {  	_ = 	snop  }
0x5c: {  	[tilespmem:s26], [sflag:$0x1] =	stream.indirect_vreg.gather [hbm4b:s4+s2], $0x80, v3, vm0, $0xb8;
	[tilespmem:$0x10100] =	vst v63  }
0x5d: {  	s19 =	simm.s32 $0xB000  }
0x5e: {  	[tilespmem:s19], [sflag:$0x1] =	stream.indirect_vreg.gather [hbm4b:s5+s2], $0x80, v3, vm0, $0xb8;
	[tilespmem:$0x10100] =	vst v63  }
0x5f: {  	s19 =	simm.s32 $0xB800  }
0x60: {  	[tilespmem:s19], [sflag:$0x1] =	stream.indirect_vreg.gather [hbm4b:s6+s2], $0x80, v3, vm0, $0xb8;
	[tilespmem:$0x10100] =	vst v63  }
0x61: {  	v3 =	vld [tilespmem:$0x10090];
	_ =	sdelay $0x4  }
0x62: {  	v59 =	vshll.u32 v3, $0x3  }
0x63: {  	v3 =	vand.u32 $0x7, v3;
	v4 =	vand.u32 $0xFFFFFFC0, v59  }
0x64: {  	v3 =	vor.u32 v3, v4  }
0x65: {  	v4 =	vperm.xlane v3, v0;
	_ =	sdelay $0x1  }
0x66: {  	v4 =	vadd.s32 v1, v4;
	_ =	sdelay $0x3  }
0x67: {  	s19 =	simm.s32 $0xC000  }
0x68: {  	[tilespmem:s19], [sflag:$0x1] =	stream.indirect_vreg.gather [hbm4b:s3+s2], $0x80, v4, vm0, $0xb8;
	[tilespmem:$0x10100] =	vst v63  }
0x69: {  	v3 =	vperm.xlane v3, v2;
	s19 =	simm.s32 $0xC800  }
0x6a: {  	[tilespmem:s19], [sflag:$0x1] =	stream.indirect_vreg.gather [hbm4b:s4+s2], $0x80, v4, vm0, $0xb8;
	[tilespmem:$0x10100] =	vst v63  }
0x6b: {  	v3 =	vadd.s32 v1, v3;
	s19 =	simm.s32 $0xD000  }
0x6c: {  	[tilespmem:s19], [sflag:$0x1] =	stream.indirect_vreg.gather [hbm4b:s5+s2], $0x80, v4, vm0, $0xb8;
	[tilespmem:$0x10100] =	vst v63  }
0x6d: {  	s19 =	simm.s32 $0xD800  }
0x6e: {  	[tilespmem:s19], [sflag:$0x1] =	stream.indirect_vreg.gather [hbm4b:s6+s2], $0x80, v4, vm0, $0xb8;
	[tilespmem:$0x10100] =	vst v63  }
0x6f: {  	s19 =	simm.s32 $0xE000  }
0x70: {  	[tilespmem:s19], [sflag:$0x1] =	stream.indirect_vreg.gather [hbm4b:s3+s2], $0x80, v3, vm0, $0xb8;
	[tilespmem:$0x10100] =	vst v63  }
0x71: {  	s19 =	simm.s32 $0xE800  }
0x72: {  	[tilespmem:s19], [sflag:$0x1] =	stream.indirect_vreg.gather [hbm4b:s4+s2], $0x80, v3, vm0, $0xb8;
	[tilespmem:$0x10100] =	vst v63  }
0x73: {  	s19 =	simm.s32 $0xF000  }
0x74: {  	[tilespmem:s19], [sflag:$0x1] =	stream.indirect_vreg.gather [hbm4b:s5+s2], $0x80, v3, vm0, $0xb8;
	[tilespmem:$0x10100] =	vst v63  }
0x75: {  	s19 =	simm.s32 $0xF800  }
0x76: {  	[tilespmem:s19], [sflag:$0x1] =	stream.indirect_vreg.gather [hbm4b:s6+s2], $0x80, v3, vm0, $0xb8;
	[tilespmem:$0x10100] =	vst v63  }
0x77: {  	_ =	swait.ge [sflag:s18], $0x8000  }
0x78: {  	[sflag:s18] =	ssyncset.done $0x0  }
0x79: {  	[sflag:s18] =	ssyncadd.s32 $0xFFFF8000  }
0x7a: {  	_ =	swait.ge [sflag:s18], $0x8000  }
0x7b: {  	[sflag:s18] =	ssyncset.done $0x0  }
0x7c: {  	s19 =	rddreg [dreg:$0x5];
	[sflag:s18] =	ssyncadd.s32 $0xFFFF8000  }
0x7d: {  	[hbm4b:s19+s2] =	stream.linear.scatter [tilespmem:s2], [sflag:$0x2], $0x8000, $0x38;
	[tilespmem:$0x10100] =	vst v63  }
0x7e: {  	_ =	swait.ge [sflag:s9], $0x8000  }
0x7f: {  	[sflag:s9] =	ssyncset.done $0x0  }
0x80: {  	s19 =	rddreg [dreg:$0x6];
	[sflag:s9] =	ssyncadd.s32 $0xFFFF8000  }
0x81: {  	[hbm4b:s19+s2] =	stream.linear.scatter [tilespmem:s0], [sflag:$0x2], $0x8000, $0x38;
	[tilespmem:$0x10100] =	vst v63  }
0x82: {  	_ =	swait.ge [sflag:s9], $0x8000  }
0x83: {  	[sflag:s9] =	ssyncset.done $0x0  }
0x84: {  	s19 =	rddreg [dreg:$0x7];
	[sflag:s9] =	ssyncadd.s32 $0xFFFF8000  }
0x85: {  	[tilespmem:s20], [sflag:$0x2] =	stream.linear.gather [hbm4b:s19+s2], $0x20, $0x38;
	[tilespmem:$0x10100] =	vst v63  }
0x86: {  	_ =	swait.ge [sflag:s9], $0x20  }
0x87: {  	[sflag:s9] =	ssyncset.done $0x0  }
0x88: {  	s19 =	rddreg [dreg:$0x8];
	[sflag:s9] =	ssyncadd.s32 $0xFFFFFFE0  }
0x89: {  	[tilespmem:s21], [sflag:$0x2] =	stream.linear.gather [hbm4b:s19+s2], $0x20, $0x38;
	[tilespmem:$0x10100] =	vst v63  }
0x8a: {  	_ =	swait.ge [sflag:s9], $0x20  }
0x8b: {  	[sflag:s9] =	ssyncset.done $0x0  }
0x8c: {  	[sflag:s9] =	ssyncadd.s32 $0xFFFFFFE0  }
0x8d: {  	v3 =	vld [tilespmem:$0x10000];
	_ =	sdelay $0x4  }
0x8e: {  	v60 =	vshll.u32 v3, $0x3  }
0x8f: {  	v3 =	vand.u32 $0x7, v3;
	v4 =	vand.u32 $0xFFFFFFC0, v60  }
0x90: {  	v3 =	vor.u32 v3, v4  }
0x91: {  	v4 =	vperm.xlane v3, v0;
	_ =	sdelay $0x1  }
0x92: {  	v4 =	vadd.s32 v1, v4;
	_ =	sdelay $0x4  }
0x93: {  	[tilespmem:s2], [sflag:$0x1] =	stream.indirect_vreg.gather [hbm4b:s3+s2], $0x80, v4, vm0, $0xb8;
	[tilespmem:$0x10100] =	vst v63  }
0x94: {  	v3 =	vperm.xlane v3, v2  }
0x95: {  	[tilespmem:s22], [sflag:$0x1] =	stream.indirect_vreg.gather [hbm4b:s4+s2], $0x80, v4, vm0, $0xb8;
	[tilespmem:$0x10100] =	vst v63  }
0x96: {  	v3 =	vadd.s32 v1, v3  }
0x97: {  	[tilespmem:s23], [sflag:$0x1] =	stream.indirect_vreg.gather [hbm4b:s5+s2], $0x80, v4, vm0, $0xb8;
	[tilespmem:$0x10100] =	vst v63  }
0x98: {  	_ = 	snop  }
0x99: {  	[tilespmem:s24], [sflag:$0x1] =	stream.indirect_vreg.gather [hbm4b:s6+s2], $0x80, v4, vm0, $0xb8;
	[tilespmem:$0x10100] =	vst v63  }
0x9a: {  	_ = 	snop  }
0x9b: {  	[tilespmem:s25], [sflag:$0x1] =	stream.indirect_vreg.gather [hbm4b:s3+s2], $0x80, v3, vm0, $0xb8;
	[tilespmem:$0x10100] =	vst v63  }
0x9c: {  	_ = 	snop  }
0x9d: {  	[tilespmem:s28], [sflag:$0x1] =	stream.indirect_vreg.gather [hbm4b:s4+s2], $0x80, v3, vm0, $0xb8;
	[tilespmem:$0x10100] =	vst v63  }
0x9e: {  	_ = 	snop  }
0x9f: {  	[tilespmem:s29], [sflag:$0x1] =	stream.indirect_vreg.gather [hbm4b:s5+s2], $0x80, v3, vm0, $0xb8;
	[tilespmem:$0x10100] =	vst v63  }
0xa0: {  	_ = 	snop  }
0xa1: {  	[tilespmem:s30], [sflag:$0x1] =	stream.indirect_vreg.gather [hbm4b:s6+s2], $0x80, v3, vm0, $0xb8;
	[tilespmem:$0x10100] =	vst v63  }
0xa2: {  	v3 =	vld [tilespmem:$0x10010];
	_ =	sdelay $0x4  }
0xa3: {  	v61 =	vshll.u32 v3, $0x3  }
0xa4: {  	v3 =	vand.u32 $0x7, v3;
	v4 =	vand.u32 $0xFFFFFFC0, v61  }
0xa5: {  	v3 =	vor.u32 v3, v4  }
0xa6: {  	v4 =	vperm.xlane v3, v0;
	_ =	sdelay $0x1  }
0xa7: {  	v4 =	vadd.s32 v1, v4;
	_ =	sdelay $0x4  }
0xa8: {  	[tilespmem:s31], [sflag:$0x1] =	stream.indirect_vreg.gather [hbm4b:s3+s2], $0x80, v4, vm0, $0xb8;
	[tilespmem:$0x10100] =	vst v63  }
0xa9: {  	s19 =	simm.s32 $0x4800;
	v3 =	vperm.xlane v3, v2  }
0xaa: {  	[tilespmem:s19], [sflag:$0x1] =	stream.indirect_vreg.gather [hbm4b:s4+s2], $0x80, v4, vm0, $0xb8;
	[tilespmem:$0x10100] =	vst v63  }
0xab: {  	v3 =	vadd.s32 v1, v3  }
0xac: {  	[tilespmem:s1], [sflag:$0x1] =	stream.indirect_vreg.gather [hbm4b:s5+s2], $0x80, v4, vm0, $0xb8;
	[tilespmem:$0x10100] =	vst v63  }
0xad: {  	_ = 	snop  }
0xae: {  	[tilespmem:s8], [sflag:$0x1] =	stream.indirect_vreg.gather [hbm4b:s6+s2], $0x80, v4, vm0, $0xb8;
	[tilespmem:$0x10100] =	vst v63  }
0xaf: {  	_ = 	snop  }
0xb0: {  	[tilespmem:s10], [sflag:$0x1] =	stream.indirect_vreg.gather [hbm4b:s3+s2], $0x80, v3, vm0, $0xb8;
	[tilespmem:$0x10100] =	vst v63  }
0xb1: {  	_ = 	snop  }
0xb2: {  	[tilespmem:s11], [sflag:$0x1] =	stream.indirect_vreg.gather [hbm4b:s4+s2], $0x80, v3, vm0, $0xb8;
	[tilespmem:$0x10100] =	vst v63  }
0xb3: {  	_ = 	snop  }
0xb4: {  	[tilespmem:s12], [sflag:$0x1] =	stream.indirect_vreg.gather [hbm4b:s5+s2], $0x80, v3, vm0, $0xb8;
	[tilespmem:$0x10100] =	vst v63  }
0xb5: {  	_ = 	snop  }
0xb6: {  	[tilespmem:s13], [sflag:$0x1] =	stream.indirect_vreg.gather [hbm4b:s6+s2], $0x80, v3, vm0, $0xb8;
	[tilespmem:$0x10100] =	vst v63  }
0xb7: {  	v3 =	vld [tilespmem:$0x10080];
	_ =	sdelay $0x4  }
0xb8: {  	v62 =	vshll.u32 v3, $0x3  }
0xb9: {  	v3 =	vand.u32 $0x7, v3;
	v4 =	vand.u32 $0xFFFFFFC0, v62  }
0xba: {  	v3 =	vor.u32 v3, v4  }
0xbb: {  	v4 =	vperm.xlane v3, v0;
	_ =	sdelay $0x1  }
0xbc: {  	v4 =	vadd.s32 v1, v4;
	_ =	sdelay $0x4  }
0xbd: {  	[tilespmem:s0], [sflag:$0x1] =	stream.indirect_vreg.gather [hbm4b:s3+s2], $0x80, v4, vm0, $0xb8;
	[tilespmem:$0x10100] =	vst v63  }
0xbe: {  	v3 =	vperm.xlane v3, v2  }
0xbf: {  	[tilespmem:s14], [sflag:$0x1] =	stream.indirect_vreg.gather [hbm4b:s4+s2], $0x80, v4, vm0, $0xb8;
	[tilespmem:$0x10100] =	vst v63  }
0xc0: {  	v3 =	vadd.s32 v1, v3  }
0xc1: {  	[tilespmem:s15], [sflag:$0x1] =	stream.indirect_vreg.gather [hbm4b:s5+s2], $0x80, v4, vm0, $0xb8;
	[tilespmem:$0x10100] =	vst v63  }
0xc2: {  	_ = 	snop  }
0xc3: {  	[tilespmem:s16], [sflag:$0x1] =	stream.indirect_vreg.gather [hbm4b:s6+s2], $0x80, v4, vm0, $0xb8;
	[tilespmem:$0x10100] =	vst v63  }
0xc4: {  	_ = 	snop  }
0xc5: {  	[tilespmem:s17], [sflag:$0x1] =	stream.indirect_vreg.gather [hbm4b:s3+s2], $0x80, v3, vm0, $0xb8;
	[tilespmem:$0x10100] =	vst v63  }
0xc6: {  	_ = 	snop  }
0xc7: {  	[tilespmem:s26], [sflag:$0x1] =	stream.indirect_vreg.gather [hbm4b:s4+s2], $0x80, v3, vm0, $0xb8;
	[tilespmem:$0x10100] =	vst v63  }
0xc8: {  	s19 =	simm.s32 $0xB000  }
0xc9: {  	[tilespmem:s19], [sflag:$0x1] =	stream.indirect_vreg.gather [hbm4b:s5+s2], $0x80, v3, vm0, $0xb8;
	[tilespmem:$0x10100] =	vst v63  }
0xca: {  	s19 =	simm.s32 $0xB800  }
0xcb: {  	[tilespmem:s19], [sflag:$0x1] =	stream.indirect_vreg.gather [hbm4b:s6+s2], $0x80, v3, vm0, $0xb8;
	[tilespmem:$0x10100] =	vst v63  }
0xcc: {  	v3 =	vld [tilespmem:$0x10090];
	_ =	sdelay $0x4  }
0xcd: {  	v63 =	vshll.u32 v3, $0x3  }
0xce: {  	v3 =	vand.u32 $0x7, v3;
	v4 =	vand.u32 $0xFFFFFFC0, v63  }
0xcf: {  	v3 =	vor.u32 v3, v4  }
0xd0: {  	v4 =	vperm.xlane v3, v0;
	_ =	sdelay $0x1  }
0xd1: {  	v4 =	vadd.s32 v1, v4;
	_ =	sdelay $0x3  }
0xd2: {  	s19 =	simm.s32 $0xC000  }
0xd3: {  	[tilespmem:s19], [sflag:$0x1] =	stream.indirect_vreg.gather [hbm4b:s3+s2], $0x80, v4, vm0, $0xb8;
	[tilespmem:$0x10100] =	vst v63  }
0xd4: {  	v3 =	vperm.xlane v3, v2;
	s19 =	simm.s32 $0xC800  }
0xd5: {  	[tilespmem:s19], [sflag:$0x1] =	stream.indirect_vreg.gather [hbm4b:s4+s2], $0x80, v4, vm0, $0xb8;
	[tilespmem:$0x10100] =	vst v63  }
0xd6: {  	v3 =	vadd.s32 v1, v3;
	s19 =	simm.s32 $0xD000  }
0xd7: {  	[tilespmem:s19], [sflag:$0x1] =	stream.indirect_vreg.gather [hbm4b:s5+s2], $0x80, v4, vm0, $0xb8;
	[tilespmem:$0x10100] =	vst v63  }
0xd8: {  	s19 =	simm.s32 $0xD800  }
0xd9: {  	[tilespmem:s19], [sflag:$0x1] =	stream.indirect_vreg.gather [hbm4b:s6+s2], $0x80, v4, vm0, $0xb8;
	[tilespmem:$0x10100] =	vst v63  }
0xda: {  	s19 =	simm.s32 $0xE000  }
0xdb: {  	[tilespmem:s19], [sflag:$0x1] =	stream.indirect_vreg.gather [hbm4b:s3+s2], $0x80, v3, vm0, $0xb8;
	[tilespmem:$0x10100] =	vst v63  }
0xdc: {  	s19 =	simm.s32 $0xE800  }
0xdd: {  	[tilespmem:s19], [sflag:$0x1] =	stream.indirect_vreg.gather [hbm4b:s4+s2], $0x80, v3, vm0, $0xb8;
	[tilespmem:$0x10100] =	vst v63  }
0xde: {  	s19 =	simm.s32 $0xF000  }
0xdf: {  	[tilespmem:s19], [sflag:$0x1] =	stream.indirect_vreg.gather [hbm4b:s5+s2], $0x80, v3, vm0, $0xb8;
	[tilespmem:$0x10100] =	vst v63  }
0xe0: {  	s19 =	simm.s32 $0xF800  }
0xe1: {  	[tilespmem:s19], [sflag:$0x1] =	stream.indirect_vreg.gather [hbm4b:s6+s2], $0x80, v3, vm0, $0xb8;
	[tilespmem:$0x10100] =	vst v63  }
0xe2: {  	_ =	swait.ge [sflag:s18], $0x8000  }
0xe3: {  	[sflag:s18] =	ssyncset.done $0x0  }
0xe4: {  	[sflag:s18] =	ssyncadd.s32 $0xFFFF8000  }
0xe5: {  	_ =	swait.ge [sflag:s18], $0x8000  }
0xe6: {  	[sflag:s18] =	ssyncset.done $0x0  }
0xe7: {  	s1 =	rddreg [dreg:$0x9];
	[sflag:s18] =	ssyncadd.s32 $0xFFFF8000  }
0xe8: {  	[hbm4b:s1+s2] =	stream.linear.scatter [tilespmem:s2], [sflag:$0x2], $0x8000, $0x38;
	[tilespmem:$0x10100] =	vst v63  }
0xe9: {  	_ =	swait.ge [sflag:s9], $0x8000  }
0xea: {  	p0 =	sne.s32 s7, $0x1;
	[sflag:s9] =	ssyncset.done $0x0  }
.Ltmp0:
0xeb: {  	s1 =	rddreg [dreg:$0xa];
	[sflag:s9] =	ssyncadd.s32 $0xFFFF8000;
	(pc) =	sbr.rel @p0 .LBB2_1-.Ltmp0, $4  }
0xec: {  	[hbm4b:s1+s2] =	stream.linear.scatter [tilespmem:s0], [sflag:$0x2], $0x8000, $0x38;
	[tilespmem:$0x10100] =	vst v63  }
0xed: {  	_ =	swait.ge [sflag:s9], $0x8000  }
0xee: {  	[sflag:s9] =	ssyncset.done $0x0  }
0xef: {  	s7 =	sadd.s32 $0xFFFFFFFF, s7;
	[sflag:s9] =	ssyncadd.s32 $0xFFFF8000  }
0xf0: {  	_ =	sfence.sel $0x180000  }
0xf1: {  	[bflag:$0x0] =	sbarrier.arrive $0xFFFF  }
0xf2: {  	_ =	strace $0x9000004A  }
0xf3: {  	s0 =	stileid.u32;
	[bflag:$0x2] =	sbarrier.arrive $0xFFFF  }
0xf4: {  	p0 =	sne.s32 s0, $0x0;
	s0 =	rddreg [dreg:$0x2]  }
0xf5: {  	s0 =	sadd.s32 @!p0 $0x100000, s0  }
0xf6: {  	[sflag:s0] =	ssyncadd.tile.s32 @!p0 $0x1;
	_ =	shalt  }
.Lfunc_end2:
_tile_overlayer_lowered:
.L_overlay_start_2:
0xf7: {  	(tag) =	ssettag $0x2  }
0xf8: {  	s0 =	rddreg [dreg:$0x0];
	s2 =	stileid.u32  }
0xf9: {  	s1 =	rddreg [dreg:$0x1];
	p0 =	sne.s32 s2, $0x0  }
0xfa: {  	s3 =	rddreg [dreg:$0x2];
	[bflag:$0x3] =	sbarrier.arrive $0xFFFF;
	s2 =	simm.s32 @!p0 $0x1C02  }
0xfb: {  	[timem:s3], [sflag:s2] =	dma.local @!p0 [hbm:s0], s1  }
0xfc: {  	s0 =	simm.s32 @!p0 $0x2  }
0xfd: {  	_ =	swait.ge @!p0 [sflag:s0], s1  }
0xfe: {  	s1 =	ssub.s32 @!p0 $0x0, s1;
	[sflag:s0] =	ssyncset.done @!p0 $0x0  }
0xff: {  	[sflag:s0] =	ssyncadd.s32 @!p0 s1  }
0x100: {  	[bflag:$0x3] =	sbarrier.arrive $0xFFFF  }
0x101: {  	_ =	shalt  }

// kernel: kernel.7.cloned.1.call-start
scs
__scs_entry_jumppad:
0x0: {  	(pc) =	sbr.rel $0x88, $3  }
0x1: {  	(tag) =	ssettag $0x0;
	lr =	simm.s32 $0x1  }
0x2: {  	[smem:$0x3F9A] =	sst lr;
	_ =	strace $0xD0000000  }
0x3: {  	_ = 	snop  }
0x4: {  	_ = 	snop  }
0x5: {  	_ = 	snop  }
0x6: {  	_ = 	snop  }
0x7: {  	_ = 	snop  }
__scs_overlays_trampoline_lowered:
0x8: {  	[smem:$0x3FA9] =	sst s0  }
0x9: {  	[smem:$0x3FAA] =	sst s1  }
0xa: {  	[smem:$0x3FAB] =	sst s2  }
0xb: {  	[smem:$0x3FAC] =	sst s3  }
0xc: {  	[smem:$0x3FAD] =	sst s4  }
0xd: {  	[smem:$0x3FAE] =	sst s5  }
0xe: {  	[smem:$0x3FAF] =	sst s6  }
0xf: {  	[smem:$0x3FB0] =	sst s7  }
0x10: {  	[smem:$0x3FB1] =	sst s8  }
0x11: {  	[smem:$0x3FB2] =	sst s9;
	s0 =	simm.s32 @!p0 $0x0  }
0x12: {  	s1 =	sld [smem:$0x3F98];
	s0 =	simm.s32 @p0 $0x1  }
0x13: {  	[smem:$0x3FB3] =	sst s0;
	s0 =	simm.s32 @!p1 $0x0  }
0x14: {  	s2 =	sld [smem:$0x3F97];
	s0 =	simm.s32 @p1 $0x1  }
0x15: {  	[smem:$0x3FB4] =	sst s0;
	s0 =	simm.s32 @!p2 $0x0  }
0x16: {  	s3 =	sld [smem:$0x3FDB];
	s0 =	simm.s32 @p2 $0x1  }
0x17: {  	s4 =	simm.s32 $0x1BF5;
	[smem:$0x3FB6] =	sst s0  }
0x18: {  	s0 =	sld [smem:$0x3F99];
	_ =	swait.ge [sflag:s4], $0x0  }
0x19: {  	s7 =	sld [smem:$0x3F9A]  }
0x1a: {  	s8 =	sadd.s32 $0xFFFFE003, lr  }
0x1b: {  	s9 =	sadd.s32 $0xFFFFFEF7, lr;
	s5 =	simm.s32 $0xFFFFFFFF;
	p2 =	slt.u32 s8, $0xFFFFF086  }
0x1c: {  	p1 =	slt.u32 s9, $0xF7A;
	s5 =	simm.s32 @!p2 $0x0  }
0x1d: {  	s5 =	simm.s32 @p1 $0x1;
	p0 =	seq.s32 s7, s2  }
0x1e: {  	s7 =	smul.u32 @!p0 $0xF7A, s2;
	p2 =	seq.s32 @!p0 s5, $0x0  }
0x1f: {  	s9 =	smul.u32 $0xF7A, s1;
	s8 =	simm.s32 @!p0 $0x1BF5;
	p2 =	por !p2, p0  }
0x20: {  	[sflag:s8] =	ssyncset.s32 @!p0 $0xFFFFF086;
	s6 =	sadd.s32 @!p0 s3, s7;
	s7 =	simm.s32 @!p0 $0x108  }
0x21: {  	s3 =	sadd.s32 s3, s9;
	s6 =	sadd.s32 @!p0 $0x88, s6;
	s7 =	simm.s32 @p2 $0x1082  }
0x22: {  	[simem:s7], [sflag:s8] =	dma.local @!p0 [hbm:s6], $0xF7A  }
0x23: {  	s9 =	sor.u32 $0xD0000000, s2;
	s6 =	simm.s32 $0x108;
	_ =	swait.ge @!p0 [sflag:s8], $0x0  }
0x24: {  	s3 =	sadd.s32 $0x88, s3;
	s6 =	simm.s32 @!p1 $0x1082;
	[sflag:s4] =	ssyncset.s32 $0xFFFFF086  }
0x25: {  	[simem:s6], [sflag:s4] =	dma.local [hbm:s3], $0xF7A  }
0x26: {  	[smem:$0x3F9A] =	sst s1;
	(tag) =	ssettag s2;
	_ =	strace s9  }
0x27: {  	s1 =	sld [smem:$0x3FAA]  }
0x28: {  	s2 =	sld [smem:$0x3FAB]  }
0x29: {  	s4 =	sld [smem:$0x3FAD]  }
0x2a: {  	p0 =	seq.s32 s5, $0x0;
	s5 =	sld [smem:$0x3FAE]  }
0x2b: {  	s6 =	sld [smem:$0x3FAF]  }
0x2c: {  	s7 =	sld [smem:$0x3FB0]  }
0x2d: {  	s3 =	simm.s32 $0x108;
	s8 =	sld [smem:$0x3FB1]  }
0x2e: {  	s3 =	simm.s32 @!p0 $0x1082;
	s9 =	sld [smem:$0x3FB2]  }
0x2f: {  	lr =	sadd.s32 s0, s3;
	s0 =	sld [smem:$0x3FA9]  }
0x30: {  	s3 =	sld [smem:$0x3FAC]  }
0x31: {  	[smem:$0x3FB5] =	sst s10  }
0x32: {  	s10 =	sld [smem:$0x3FB3];
	_ =	sdelay $0x3  }
0x33: {  	p0 =	seq.s32 s10, $0x1;
	s10 =	sld [smem:$0x3FB5];
	_ =	sdelay $0x3  }
0x34: {  	[smem:$0x3FB5] =	sst s10  }
0x35: {  	s10 =	sld [smem:$0x3FB4];
	_ =	sdelay $0x3  }
0x36: {  	p1 =	seq.s32 s10, $0x1;
	s10 =	sld [smem:$0x3FB5];
	_ =	sdelay $0x3  }
0x37: {  	[smem:$0x3FB5] =	sst s10  }
0x38: {  	s10 =	sld [smem:$0x3FB6]  }
0x39: {  	_ = 	snop;
	(pc) =	sbr.ind lr, $3  }
0x3a: {  	_ = 	snop  }
0x3b: {  	_ = 	snop  }
0x3c: {  	p2 =	seq.s32 s10, $0x1;
	s10 =	sld [smem:$0x3FB5]  }
0x3d: {  	_ =	shalt  }
0x3e: {  	_ =	shalt  }
0x3f: {  	_ =	shalt  }
0x40: {  	_ =	shalt  }
0x41: {  	_ =	shalt  }
0x42: {  	_ =	shalt  }
0x43: {  	_ =	shalt  }
0x44: {  	_ =	shalt  }
0x45: {  	_ =	shalt  }
0x46: {  	_ =	shalt  }
0x47: {  	_ =	shalt  }
0x48: {  	_ =	shalt  }
0x49: {  	_ =	shalt  }
0x4a: {  	_ =	shalt  }
0x4b: {  	_ =	shalt  }
0x4c: {  	_ =	shalt  }
0x4d: {  	_ =	shalt  }
0x4e: {  	_ =	shalt  }
0x4f: {  	_ =	shalt  }
0x50: {  	_ =	shalt  }
0x51: {  	_ =	shalt  }
0x52: {  	_ =	shalt  }
0x53: {  	_ =	shalt  }
0x54: {  	_ =	shalt  }
0x55: {  	_ =	shalt  }
0x56: {  	_ =	shalt  }
0x57: {  	_ =	shalt  }
0x58: {  	_ =	shalt  }
0x59: {  	_ =	shalt  }
0x5a: {  	_ =	shalt  }
0x5b: {  	_ =	shalt  }
0x5c: {  	_ =	shalt  }
0x5d: {  	_ =	shalt  }
0x5e: {  	_ =	shalt  }
0x5f: {  	_ =	shalt  }
0x60: {  	_ =	shalt  }
0x61: {  	_ =	shalt  }
0x62: {  	_ =	shalt  }
0x63: {  	_ =	shalt  }
0x64: {  	_ =	shalt  }
0x65: {  	_ =	shalt  }
0x66: {  	_ =	shalt  }
0x67: {  	_ =	shalt  }
0x68: {  	_ =	shalt  }
0x69: {  	_ =	shalt  }
0x6a: {  	_ =	shalt  }
0x6b: {  	_ =	shalt  }
0x6c: {  	_ =	shalt  }
0x6d: {  	_ =	shalt  }
0x6e: {  	_ =	shalt  }
0x6f: {  	_ =	shalt  }
0x70: {  	_ =	shalt  }
0x71: {  	_ =	shalt  }
0x72: {  	_ =	shalt  }
0x73: {  	_ =	shalt  }
0x74: {  	_ =	shalt  }
0x75: {  	_ =	shalt  }
0x76: {  	_ =	shalt  }
0x77: {  	_ =	shalt  }
0x78: {  	_ =	shalt  }
0x79: {  	_ =	shalt  }
0x7a: {  	_ =	shalt  }
0x7b: {  	_ =	shalt  }
0x7c: {  	_ =	shalt  }
0x7d: {  	_ =	shalt  }
0x7e: {  	_ =	shalt  }
0x7f: {  	_ =	shalt  }
0x80: {  	_ =	shalt  }
0x81: {  	_ =	shalt  }
0x82: {  	_ =	shalt  }
0x83: {  	_ =	shalt  }
0x84: {  	_ =	shalt  }
0x85: {  	_ =	shalt  }
0x86: {  	_ =	shalt  }
0x87: {  	_ =	shalt  }
.Lfunc_end0:
.L_simem_size_0:
called_computation_lowered:
.L_overlay_start_0:
0x88: {  	s2 =	sld [smem:$0x3FD9]  }
0x89: {  	s3 =	sld [smem:$0x3FFE];
	_ =	sdelay $0x1  }
0x8a: {  	s1 =	srdreg.scid  }
0x8b: {  	s0 =	sand.u32 $0x1, s1  }
0x8c: {  	s17 =	sshll.u32 s0, $0xA;
	s2 =	sadd.s32 s3, s2  }
0x8d: {  	s2 =	sadd.s32 s2, s17  }
0x8e: {  	[smem:$0x3FC1] =	sst s2  }
0x8f: {  	_ = 	snop  }
0x90: {  	s2 =	sld [smem:$0x3FC9];
	(tm) =	ssettm $0x1  }
0x91: {  	s18 =	sld [smem:$0x3FFB];
	_ =	sdelay $0x3  }
0x92: {  	_ =	strace s18  }
0x93: {  	s3 =	sld [smem:$0x3FFC];
	_ =	sdelay $0x3  }
0x94: {  	_ =	strace s3  }
0x95: {  	s3 =	sld [smem:$0x3FFD];
	_ =	sdelay $0x3  }
0x96: {  	_ =	strace s3  }
0x97: {  	_ =	strace $0x8FFFFFFF  }
0x98: {  	s19 =	sld [smem:$0x3FDB];
	_ =	sdelay $0x1  }
0x99: {  	s4 =	simm.s32 $_scs_section_size  }
0x9a: {  	s5 =	simm.s32 $_size__tile_overlayer_lowered;
	s6 =	simm.s32 $_tile_overlayer_lowered  }
0x9b: {  	s22 =	simm.s32 $0x1BFF;
	s21 =	sshll.u32 s6, $0x1;
	s3 =	sadd.s32 s4, s19  }
0x9c: {  	s7 =	simm.s32 $0x0;
	s20 =	sshll.u32 s5, $0x1;
	s5 =	sadd.s32 s21, s3  }
0x9d: {  	[timem:s7], [sflag:s22] =	dma.local [hbm:s5], s20  }
0x9e: {  	_ =	swait.ge [sflag:s22], s20  }
0x9f: {  	s4 =	ssub.s32 $0x0, s20;
	[sflag:s22] =	ssyncset.done $0x0  }
0xa0: {  	[sflag:s22] =	ssyncadd.s32 s4;
	_ =	sdelay $0x1  }
0xa1: {  	s23 =	simm.s32 $0x1B8B  }
0xa2: {  	_ =	swait.ge [sflag:s23], $0x1  }
0xa3: {  	[sflag:s23] =	ssyncset.done $0x0  }
0xa4: {  	s25 =	simm.s32 $0x1B8E;
	s24 =	sld [smem:$0x3FFE];
	[sflag:s23] =	ssyncadd.s32 $0xFFFFFFFF  }
0xa5: {  	s26 =	simm.s32 $execute0_lowered;
	[smem:$0x3FD2] =	sst s25  }
0xa6: {  	s5 =	sshll.u32 s26, $0x1;
	_ =	strace $0x80000046;
	[dreg:$0x1] =	wrdreg $0xFFFFFFFF  }
0xa7: {  	s28 =	simm.s32 $_size_execute0_lowered;
	s3 =	sadd.s32 s3, s5;
	[dreg:$0x0] =	wrdreg $0x0  }
0xa8: {  	s5 =	sshll.u32 s28, $0x1;
	[dreg:$0x2] =	wrdreg s3  }
0xa9: {  	[dreg:$0x3] =	wrdreg s5  }
0xaa: {  	[dreg:$0x4] =	wrdreg $0xC0  }
0xab: {  	_ =	task [dreg:s7], $0x5FFFF  }
0xac: {  	[dreg:$0x1] =	wrdreg $0xFFFFFFFF  }
0xad: {  	[dreg:$0x0] =	wrdreg $0x60  }
0xae: {  	[dreg:$0x2] =	wrdreg s2  }
0xaf: {  	[dreg:$0x3] =	wrdreg s24  }
0xb0: {  	[dreg:$0x4] =	wrdreg $0x9  }
0xb1: {  	_ =	task.clear_ibuf [dreg:s7], $0x5FFFF;
	_ =	strace $0x90000046  }
0xb2: {  	s29 =	simm.s32 $0x9;
	_ =	strace $0x80000048  }
0xb3: {  	_ =	swait.ge [sflag:s29], $0x1  }
0xb4: {  	[sflag:s29] =	ssyncadd.s32 $0xFFFFFFFF  }
0xb5: {  	_ =	strace $0x90000048  }
0xb6: {  	_ =	sfence  }
0xb7: {  	s30 =	sld [smem:$0x0];
	_ =	sdelay $0x2  }
0xb8: {  	s31 =	sshll.u32 s1, $0xD;
	s1 =	sshrl.u32 s1, $0x2  }
0xb9: {  	s3 =	sand.u32 $0x4000, s31;
	s1 =	sadd.s32 s1, s30  }
0xba: {  	s0 =	sor.u32 s3, s0;
	s1 =	sshll.u32 s1, $0x11  }
0xbb: {  	s0 =	sor.u32 s1, s0  }
0xbc: {  	s0 =	sadd.s32 $0x8F2B, s0  }
0xbd: {  	[sflag:s0] =	ssyncadd.remote.s32 $0x1  }
0xbe: {  	_ =	sfence.sel $0xFFFF  }
0xbf: {  	[dreg:$0x0] =	wrdreg $0xFFFFFFFF;
	(pc) =	sbr.abs _section_cstart, $3  }
0xc0: {  	[dreg:$0x1] =	wrdreg $0xFFFFFFFF  }
0xc1: {  	_ =	task.clear_ibuf [dreg:s7], $0x2FFFF;
	_ =	strace $0x9FFFFFFF  }
0xc2: {  	(tm) =	ssettm $0x7FFFFFFF  }
0xc3: {  	_ =	shalt  }
tec
execute0_lowered:
.L_overlay_start_1:
0x0: {  	(tag) =	ssettag $0x1  }
0x1: {  	s0 =	srdreg.scid  }
0x2: {  	s1 =	rddreg [dreg:$0x0];
	s2 =	stileid.u32  }
0x3: {  	s6 =	rddreg [dreg:$0x1];
	s25 =	simm.s32 $0x10000;
	s8 =	simm.s32 $0x2  }
0x4: {  	s26 =	simm.s32 $0x10080;
	s19 =	simm.s32 $0x1800;
	s20 =	simm.s32 $0x2000  }
0x5: {  	s21 =	simm.s32 $0x2800;
	s28 =	simm.s32 $0x5800;
	s29 =	simm.s32 $0x6000  }
0x6: {  	s30 =	simm.s32 $0x6800;
	s31 =	simm.s32 $0x7000;
	s9 =	simm.s32 $0x8800  }
0x7: {  	s10 =	simm.s32 $0x9000;
	s11 =	simm.s32 $0x9800;
	s12 =	simm.s32 $0xA000  }
0x8: {  	s13 =	simm.s32 $0xA800;
	s14 =	simm.s32 $0xB000;
	s15 =	simm.s32 $0xB800  }
0x9: {  	s0 =	sand.u32 $0x1, s0;
	s3 =	sshll.u32 s2, $0x7;
	s2 =	simm.s32 $0x0  }
0xa: {  	s16 =	simm.s32 $0xC000;
	s4 =	sshll.u32 s0, $0x6;
	[smem:$0x7FF] =	sst s2  }
0xb: {  	s0 =	ssub.s32 $0x2, s0;
	_ =	strace $0x80000047;
	[dreg:$0x6] =	wrdreg s25  }
0xc: {  	s3 =	sor.u32 s4, s3;
	s22 =	sshrl.u32 s0, $0x1;
	[dreg:$0x7] =	wrdreg s26  }
0xd: {  	s25 =	simm.s32 $0x4800;
	s26 =	simm.s32 $0x5000;
	s4 =	sshrl.u32 s3, $0x3  }
0xe: {  	s5 =	sshll.u32 s3, $0x7;
	s3 =	sadd.s32 $0x2000, s6;
	s0 =	ssub.s32 s0, s22  }
0xf: {  	s22 =	simm.s32 $0x3000;
	s4 =	sadd.s32 s4, s6;
	s1 =	sadd.s32 s1, s5  }
0x10: {  	s5 =	sadd.s32 $0x2200, s6;
	s7 =	smax.u32 s0, $0x1;
	[dreg:$0x3] =	wrdreg s1  }
0x11: {  	v2 =	vlaneseq.u32;
	s23 =	sadd.s32 $0x1C00, s4;
	s24 =	sadd.s32 $0x1E00, s4;
	s4 =	sadd.s32 $0x2100, s6  }
0x12: {  	vm0 =	vmmov $0xffff;
	v1 =	vshrl.u32 v2, $0x3;
	s6 =	sadd.s32 $0x2300, s6;
	s1 =	simm.s32 $0x7800;
	[dreg:$0x4] =	wrdreg s23  }
0x13: {  	v0 =	vand.u32 $0x7, v2;
	v2 =	vor.u32 $0x8, v2;
	v1 =	vmul.u32 $0x8, v1;
	[dreg:$0x5] =	wrdreg s24;
	s23 =	simm.s32 $0x3800;
	s24 =	simm.s32 $0x4000  }
.LBB2_1:
0x14: {  	s17 =	rddreg [dreg:$0x3]  }
0x15: {  	[tilespmem:s2], [sflag:$0x2] =	stream.linear.gather [hbm4b:s17+s2], $0x10000, $0x38;
	[tilespmem:$0x10100] =	vst v63  }
0x16: {  	_ =	swait.ge [sflag:s8], $0x10000  }
0x17: {  	s0 =	rddreg [dreg:$0x4];
	[sflag:s8] =	ssyncset.done $0x0  }
0x18: {  	s18 =	rddreg [dreg:$0x6];
	[sflag:s8] =	ssyncadd.s32 $0xFFFF0000  }
0x19: {  	[tilespmem:s18], [sflag:$0x2] =	stream.linear.gather [hbm4b:s0+s2], $0x40, $0x38;
	[tilespmem:$0x10100] =	vst v63  }
0x1a: {  	_ =	swait.ge [sflag:s8], $0x40  }
0x1b: {  	s18 =	rddreg [dreg:$0x5];
	[sflag:s8] =	ssyncset.done $0x0  }
0x1c: {  	s0 =	rddreg [dreg:$0x7];
	[sflag:s8] =	ssyncadd.s32 $0xFFFFFFC0  }
0x1d: {  	[tilespmem:s0], [sflag:$0x2] =	stream.linear.gather [hbm4b:s18+s2], $0x40, $0x38;
	[tilespmem:$0x10100] =	vst v63  }
0x1e: {  	_ =	swait.ge [sflag:s8], $0x40  }
0x1f: {  	[sflag:s8] =	ssyncset.done $0x0  }
0x20: {  	[sflag:s8] =	ssyncadd.s32 $0xFFFFFFC0  }
0x21: {  	v3 =	vld [tilespmem:$0x10000];
	_ =	sdelay $0x4  }
0x22: {  	v4 =	vshll.u32 v3, $0x3  }
0x23: {  	v3 =	vand.u32 $0x7, v3;
	v4 =	vand.u32 $0xFFFFFFC0, v4  }
0x24: {  	v3 =	vor.u32 v3, v4  }
0x25: {  	v4 =	vperm.xlane v3, v0;
	_ =	sdelay $0x1  }
0x26: {  	v4 =	vadd.s32 v1, v4;
	_ =	sdelay $0x4  }
0x27: {  	[hbm4b:s3+s2] =	stream.indirect_vreg.scatter [tilespmem:s2], [sflag:$0x1], $0x80, v4, vm0, $0xb8;
	[tilespmem:$0x10100] =	vst v63  }
0x28: {  	s17 =	simm.s32 $0x800;
	v3 =	vperm.xlane v3, v2  }
0x29: {  	[hbm4b:s4+s2] =	stream.indirect_vreg.scatter [tilespmem:s17], [sflag:$0x1], $0x80, v4, vm0, $0xb8;
	[tilespmem:$0x10100] =	vst v63  }
0x2a: {  	s18 =	simm.s32 $0x1000;
	v3 =	vadd.s32 v1, v3  }
0x2b: {  	[hbm4b:s5+s2] =	stream.indirect_vreg.scatter [tilespmem:s18], [sflag:$0x1], $0x80, v4, vm0, $0xb8;
	[tilespmem:$0x10100] =	vst v63  }
0x2c: {  	_ = 	snop  }
0x2d: {  	[hbm4b:s6+s2] =	stream.indirect_vreg.scatter [tilespmem:s19], [sflag:$0x1], $0x80, v4, vm0, $0xb8;
	[tilespmem:$0x10100] =	vst v63  }
0x2e: {  	_ = 	snop  }
0x2f: {  	[hbm4b:s3+s2] =	stream.indirect_vreg.scatter [tilespmem:s20], [sflag:$0x1], $0x80, v3, vm0, $0xb8;
	[tilespmem:$0x10100] =	vst v63  }
0x30: {  	_ = 	snop  }
0x31: {  	[hbm4b:s4+s2] =	stream.indirect_vreg.scatter [tilespmem:s21], [sflag:$0x1], $0x80, v3, vm0, $0xb8;
	[tilespmem:$0x10100] =	vst v63  }
0x32: {  	_ = 	snop  }
0x33: {  	[hbm4b:s5+s2] =	stream.indirect_vreg.scatter [tilespmem:s22], [sflag:$0x1], $0x80, v3, vm0, $0xb8;
	[tilespmem:$0x10100] =	vst v63  }
0x34: {  	_ = 	snop  }
0x35: {  	[hbm4b:s6+s2] =	stream.indirect_vreg.scatter [tilespmem:s23], [sflag:$0x1], $0x80, v3, vm0, $0xb8;
	[tilespmem:$0x10100] =	vst v63  }
0x36: {  	v3 =	vld [tilespmem:$0x10010];
	_ =	sdelay $0x4  }
0x37: {  	v57 =	vshll.u32 v3, $0x3  }
0x38: {  	v3 =	vand.u32 $0x7, v3;
	v4 =	vand.u32 $0xFFFFFFC0, v57  }
0x39: {  	v3 =	vor.u32 v3, v4  }
0x3a: {  	v4 =	vperm.xlane v3, v0;
	_ =	sdelay $0x1  }
0x3b: {  	v4 =	vadd.s32 v1, v4;
	_ =	sdelay $0x4  }
0x3c: {  	[hbm4b:s3+s2] =	stream.indirect_vreg.scatter [tilespmem:s24], [sflag:$0x1], $0x80, v4, vm0, $0xb8;
	[tilespmem:$0x10100] =	vst v63  }
0x3d: {  	v3 =	vperm.xlane v3, v2  }
0x3e: {  	[hbm4b:s4+s2] =	stream.indirect_vreg.scatter [tilespmem:s25], [sflag:$0x1], $0x80, v4, vm0, $0xb8;
	[tilespmem:$0x10100] =	vst v63  }
0x3f: {  	v3 =	vadd.s32 v1, v3  }
0x40: {  	[hbm4b:s5+s2] =	stream.indirect_vreg.scatter [tilespmem:s26], [sflag:$0x1], $0x80, v4, vm0, $0xb8;
	[tilespmem:$0x10100] =	vst v63  }
0x41: {  	_ = 	snop  }
0x42: {  	[hbm4b:s6+s2] =	stream.indirect_vreg.scatter [tilespmem:s28], [sflag:$0x1], $0x80, v4, vm0, $0xb8;
	[tilespmem:$0x10100] =	vst v63  }
0x43: {  	_ = 	snop  }
0x44: {  	[hbm4b:s3+s2] =	stream.indirect_vreg.scatter [tilespmem:s29], [sflag:$0x1], $0x80, v3, vm0, $0xb8;
	[tilespmem:$0x10100] =	vst v63  }
0x45: {  	_ = 	snop  }
0x46: {  	[hbm4b:s4+s2] =	stream.indirect_vreg.scatter [tilespmem:s30], [sflag:$0x1], $0x80, v3, vm0, $0xb8;
	[tilespmem:$0x10100] =	vst v63  }
0x47: {  	_ = 	snop  }
0x48: {  	[hbm4b:s5+s2] =	stream.indirect_vreg.scatter [tilespmem:s31], [sflag:$0x1], $0x80, v3, vm0, $0xb8;
	[tilespmem:$0x10100] =	vst v63  }
0x49: {  	_ = 	snop  }
0x4a: {  	[hbm4b:s6+s2] =	stream.indirect_vreg.scatter [tilespmem:s1], [sflag:$0x1], $0x80, v3, vm0, $0xb8;
	[tilespmem:$0x10100] =	vst v63  }
0x4b: {  	v3 =	vld [tilespmem:$0x10020];
	_ =	sdelay $0x4  }
0x4c: {  	v58 =	vshll.u32 v3, $0x3  }
0x4d: {  	v3 =	vand.u32 $0x7, v3;
	v4 =	vand.u32 $0xFFFFFFC0, v58  }
0x4e: {  	v3 =	vor.u32 v3, v4  }
0x4f: {  	v4 =	vperm.xlane v3, v0;
	_ =	sdelay $0x1  }
0x50: {  	v4 =	vadd.s32 v1, v4;
	_ =	sdelay $0x3  }
0x51: {  	s0 =	simm.s32 $0x8000  }
0x52: {  	[hbm4b:s3+s2] =	stream.indirect_vreg.scatter [tilespmem:s0], [sflag:$0x1], $0x80, v4, vm0, $0xb8;
	[tilespmem:$0x10100] =	vst v63  }
0x53: {  	v3 =	vperm.xlane v3, v2  }
0x54: {  	[hbm4b:s4+s2] =	stream.indirect_vreg.scatter [tilespmem:s9], [sflag:$0x1], $0x80, v4, vm0, $0xb8;
	[tilespmem:$0x10100] =	vst v63  }
0x55: {  	v3 =	vadd.s32 v1, v3  }
0x56: {  	[hbm4b:s5+s2] =	stream.indirect_vreg.scatter [tilespmem:s10], [sflag:$0x1], $0x80, v4, vm0, $0xb8;
	[tilespmem:$0x10100] =	vst v63  }
0x57: {  	_ = 	snop  }
0x58: {  	[hbm4b:s6+s2] =	stream.indirect_vreg.scatter [tilespmem:s11], [sflag:$0x1], $0x80, v4, vm0, $0xb8;
	[tilespmem:$0x10100] =	vst v63  }
0x59: {  	_ = 	snop  }
0x5a: {  	[hbm4b:s3+s2] =	stream.indirect_vreg.scatter [tilespmem:s12], [sflag:$0x1], $0x80, v3, vm0, $0xb8;
	[tilespmem:$0x10100] =	vst v63  }
0x5b: {  	_ = 	snop  }
0x5c: {  	[hbm4b:s4+s2] =	stream.indirect_vreg.scatter [tilespmem:s13], [sflag:$0x1], $0x80, v3, vm0, $0xb8;
	[tilespmem:$0x10100] =	vst v63  }
0x5d: {  	_ = 	snop  }
0x5e: {  	[hbm4b:s5+s2] =	stream.indirect_vreg.scatter [tilespmem:s14], [sflag:$0x1], $0x80, v3, vm0, $0xb8;
	[tilespmem:$0x10100] =	vst v63  }
0x5f: {  	_ = 	snop  }
0x60: {  	[hbm4b:s6+s2] =	stream.indirect_vreg.scatter [tilespmem:s15], [sflag:$0x1], $0x80, v3, vm0, $0xb8;
	[tilespmem:$0x10100] =	vst v63  }
0x61: {  	v3 =	vld [tilespmem:$0x10030];
	_ =	sdelay $0x4  }
0x62: {  	v59 =	vshll.u32 v3, $0x3  }
0x63: {  	v3 =	vand.u32 $0x7, v3;
	v4 =	vand.u32 $0xFFFFFFC0, v59  }
0x64: {  	v3 =	vor.u32 v3, v4  }
0x65: {  	v4 =	vperm.xlane v3, v0;
	_ =	sdelay $0x1  }
0x66: {  	v4 =	vadd.s32 v1, v4;
	_ =	sdelay $0x4  }
0x67: {  	[hbm4b:s3+s2] =	stream.indirect_vreg.scatter [tilespmem:s16], [sflag:$0x1], $0x80, v4, vm0, $0xb8;
	[tilespmem:$0x10100] =	vst v63  }
0x68: {  	s0 =	simm.s32 $0xC800;
	v3 =	vperm.xlane v3, v2  }
0x69: {  	[hbm4b:s4+s2] =	stream.indirect_vreg.scatter [tilespmem:s0], [sflag:$0x1], $0x80, v4, vm0, $0xb8;
	[tilespmem:$0x10100] =	vst v63  }
0x6a: {  	v3 =	vadd.s32 v1, v3;
	s0 =	simm.s32 $0xD000  }
0x6b: {  	[hbm4b:s5+s2] =	stream.indirect_vreg.scatter [tilespmem:s0], [sflag:$0x1], $0x80, v4, vm0, $0xb8;
	[tilespmem:$0x10100] =	vst v63  }
0x6c: {  	s0 =	simm.s32 $0xD800  }
0x6d: {  	[hbm4b:s6+s2] =	stream.indirect_vreg.scatter [tilespmem:s0], [sflag:$0x1], $0x80, v4, vm0, $0xb8;
	[tilespmem:$0x10100] =	vst v63  }
0x6e: {  	s0 =	simm.s32 $0xE000  }
0x6f: {  	[hbm4b:s3+s2] =	stream.indirect_vreg.scatter [tilespmem:s0], [sflag:$0x1], $0x80, v3, vm0, $0xb8;
	[tilespmem:$0x10100] =	vst v63  }
0x70: {  	s0 =	simm.s32 $0xE800  }
0x71: {  	[hbm4b:s4+s2] =	stream.indirect_vreg.scatter [tilespmem:s0], [sflag:$0x1], $0x80, v3, vm0, $0xb8;
	[tilespmem:$0x10100] =	vst v63  }
0x72: {  	s0 =	simm.s32 $0xF000  }
0x73: {  	[hbm4b:s5+s2] =	stream.indirect_vreg.scatter [tilespmem:s0], [sflag:$0x1], $0x80, v3, vm0, $0xb8;
	[tilespmem:$0x10100] =	vst v63  }
0x74: {  	s0 =	simm.s32 $0xF800  }
0x75: {  	[hbm4b:s6+s2] =	stream.indirect_vreg.scatter [tilespmem:s0], [sflag:$0x1], $0x80, v3, vm0, $0xb8;
	[tilespmem:$0x10100] =	vst v63  }
0x76: {  	v3 =	vld [tilespmem:$0x10080];
	_ =	sdelay $0x4  }
0x77: {  	v60 =	vshll.u32 v3, $0x3  }
0x78: {  	v3 =	vand.u32 $0x7, v3;
	v4 =	vand.u32 $0xFFFFFFC0, v60  }
0x79: {  	v3 =	vor.u32 v3, v4  }
0x7a: {  	v4 =	vperm.xlane v3, v0;
	_ =	sdelay $0x1  }
0x7b: {  	v4 =	vadd.s32 v1, v4;
	_ =	sdelay $0x4  }
0x7c: {  	[hbm4b:s3+s2] =	stream.indirect_vreg.scatter [tilespmem:s2], [sflag:$0x1], $0x80, v4, vm0, $0xb8;
	[tilespmem:$0x10100] =	vst v63  }
0x7d: {  	v3 =	vperm.xlane v3, v2  }
0x7e: {  	[hbm4b:s4+s2] =	stream.indirect_vreg.scatter [tilespmem:s17], [sflag:$0x1], $0x80, v4, vm0, $0xb8;
	[tilespmem:$0x10100] =	vst v63  }
0x7f: {  	v3 =	vadd.s32 v1, v3  }
0x80: {  	[hbm4b:s5+s2] =	stream.indirect_vreg.scatter [tilespmem:s18], [sflag:$0x1], $0x80, v4, vm0, $0xb8;
	[tilespmem:$0x10100] =	vst v63  }
0x81: {  	_ = 	snop  }
0x82: {  	[hbm4b:s6+s2] =	stream.indirect_vreg.scatter [tilespmem:s19], [sflag:$0x1], $0x80, v4, vm0, $0xb8;
	[tilespmem:$0x10100] =	vst v63  }
0x83: {  	_ = 	snop  }
0x84: {  	[hbm4b:s3+s2] =	stream.indirect_vreg.scatter [tilespmem:s20], [sflag:$0x1], $0x80, v3, vm0, $0xb8;
	[tilespmem:$0x10100] =	vst v63  }
0x85: {  	_ = 	snop  }
0x86: {  	[hbm4b:s4+s2] =	stream.indirect_vreg.scatter [tilespmem:s21], [sflag:$0x1], $0x80, v3, vm0, $0xb8;
	[tilespmem:$0x10100] =	vst v63  }
0x87: {  	_ = 	snop  }
0x88: {  	[hbm4b:s5+s2] =	stream.indirect_vreg.scatter [tilespmem:s22], [sflag:$0x1], $0x80, v3, vm0, $0xb8;
	[tilespmem:$0x10100] =	vst v63  }
0x89: {  	_ = 	snop  }
0x8a: {  	[hbm4b:s6+s2] =	stream.indirect_vreg.scatter [tilespmem:s23], [sflag:$0x1], $0x80, v3, vm0, $0xb8;
	[tilespmem:$0x10100] =	vst v63  }
0x8b: {  	v3 =	vld [tilespmem:$0x10090];
	_ =	sdelay $0x4  }
0x8c: {  	v61 =	vshll.u32 v3, $0x3  }
0x8d: {  	v3 =	vand.u32 $0x7, v3;
	v4 =	vand.u32 $0xFFFFFFC0, v61  }
0x8e: {  	v3 =	vor.u32 v3, v4  }
0x8f: {  	v4 =	vperm.xlane v3, v0;
	_ =	sdelay $0x1  }
0x90: {  	v4 =	vadd.s32 v1, v4;
	_ =	sdelay $0x4  }
0x91: {  	[hbm4b:s3+s2] =	stream.indirect_vreg.scatter [tilespmem:s24], [sflag:$0x1], $0x80, v4, vm0, $0xb8;
	[tilespmem:$0x10100] =	vst v63  }
0x92: {  	v3 =	vperm.xlane v3, v2  }
0x93: {  	[hbm4b:s4+s2] =	stream.indirect_vreg.scatter [tilespmem:s25], [sflag:$0x1], $0x80, v4, vm0, $0xb8;
	[tilespmem:$0x10100] =	vst v63  }
0x94: {  	v3 =	vadd.s32 v1, v3  }
0x95: {  	[hbm4b:s5+s2] =	stream.indirect_vreg.scatter [tilespmem:s26], [sflag:$0x1], $0x80, v4, vm0, $0xb8;
	[tilespmem:$0x10100] =	vst v63  }
0x96: {  	_ = 	snop  }
0x97: {  	[hbm4b:s6+s2] =	stream.indirect_vreg.scatter [tilespmem:s28], [sflag:$0x1], $0x80, v4, vm0, $0xb8;
	[tilespmem:$0x10100] =	vst v63  }
0x98: {  	_ = 	snop  }
0x99: {  	[hbm4b:s3+s2] =	stream.indirect_vreg.scatter [tilespmem:s29], [sflag:$0x1], $0x80, v3, vm0, $0xb8;
	[tilespmem:$0x10100] =	vst v63  }
0x9a: {  	_ = 	snop  }
0x9b: {  	[hbm4b:s4+s2] =	stream.indirect_vreg.scatter [tilespmem:s30], [sflag:$0x1], $0x80, v3, vm0, $0xb8;
	[tilespmem:$0x10100] =	vst v63  }
0x9c: {  	_ = 	snop  }
0x9d: {  	[hbm4b:s5+s2] =	stream.indirect_vreg.scatter [tilespmem:s31], [sflag:$0x1], $0x80, v3, vm0, $0xb8;
	[tilespmem:$0x10100] =	vst v63  }
0x9e: {  	_ = 	snop  }
0x9f: {  	[hbm4b:s6+s2] =	stream.indirect_vreg.scatter [tilespmem:s1], [sflag:$0x1], $0x80, v3, vm0, $0xb8;
	[tilespmem:$0x10100] =	vst v63  }
0xa0: {  	v3 =	vld [tilespmem:$0x100A0];
	_ =	sdelay $0x4  }
0xa1: {  	v62 =	vshll.u32 v3, $0x3  }
0xa2: {  	v3 =	vand.u32 $0x7, v3;
	v4 =	vand.u32 $0xFFFFFFC0, v62  }
0xa3: {  	v3 =	vor.u32 v3, v4  }
0xa4: {  	v4 =	vperm.xlane v3, v0;
	_ =	sdelay $0x1  }
0xa5: {  	v4 =	vadd.s32 v1, v4;
	_ =	sdelay $0x3  }
0xa6: {  	s18 =	simm.s32 $0x8000  }
0xa7: {  	[hbm4b:s3+s2] =	stream.indirect_vreg.scatter [tilespmem:s18], [sflag:$0x1], $0x80, v4, vm0, $0xb8;
	[tilespmem:$0x10100] =	vst v63  }
0xa8: {  	v3 =	vperm.xlane v3, v2  }
0xa9: {  	[hbm4b:s4+s2] =	stream.indirect_vreg.scatter [tilespmem:s9], [sflag:$0x1], $0x80, v4, vm0, $0xb8;
	[tilespmem:$0x10100] =	vst v63  }
0xaa: {  	v3 =	vadd.s32 v1, v3  }
0xab: {  	[hbm4b:s5+s2] =	stream.indirect_vreg.scatter [tilespmem:s10], [sflag:$0x1], $0x80, v4, vm0, $0xb8;
	[tilespmem:$0x10100] =	vst v63  }
0xac: {  	_ = 	snop  }
0xad: {  	[hbm4b:s6+s2] =	stream.indirect_vreg.scatter [tilespmem:s11], [sflag:$0x1], $0x80, v4, vm0, $0xb8;
	[tilespmem:$0x10100] =	vst v63  }
0xae: {  	_ = 	snop  }
0xaf: {  	[hbm4b:s3+s2] =	stream.indirect_vreg.scatter [tilespmem:s12], [sflag:$0x1], $0x80, v3, vm0, $0xb8;
	[tilespmem:$0x10100] =	vst v63  }
0xb0: {  	_ = 	snop  }
0xb1: {  	[hbm4b:s4+s2] =	stream.indirect_vreg.scatter [tilespmem:s13], [sflag:$0x1], $0x80, v3, vm0, $0xb8;
	[tilespmem:$0x10100] =	vst v63  }
0xb2: {  	_ = 	snop  }
0xb3: {  	[hbm4b:s5+s2] =	stream.indirect_vreg.scatter [tilespmem:s14], [sflag:$0x1], $0x80, v3, vm0, $0xb8;
	[tilespmem:$0x10100] =	vst v63  }
0xb4: {  	_ = 	snop  }
0xb5: {  	[hbm4b:s6+s2] =	stream.indirect_vreg.scatter [tilespmem:s15], [sflag:$0x1], $0x80, v3, vm0, $0xb8;
	[tilespmem:$0x10100] =	vst v63  }
0xb6: {  	v3 =	vld [tilespmem:$0x100B0];
	_ =	sdelay $0x4  }
0xb7: {  	v63 =	vshll.u32 v3, $0x3  }
0xb8: {  	v3 =	vand.u32 $0x7, v3;
	v4 =	vand.u32 $0xFFFFFFC0, v63  }
0xb9: {  	v3 =	vor.u32 v3, v4  }
0xba: {  	v4 =	vperm.xlane v3, v0;
	_ =	sdelay $0x1  }
0xbb: {  	v4 =	vadd.s32 v1, v4;
	_ =	sdelay $0x4  }
0xbc: {  	[hbm4b:s3+s2] =	stream.indirect_vreg.scatter [tilespmem:s16], [sflag:$0x1], $0x80, v4, vm0, $0xb8;
	[tilespmem:$0x10100] =	vst v63  }
0xbd: {  	s17 =	simm.s32 $0xC800;
	v3 =	vperm.xlane v3, v2  }
0xbe: {  	[hbm4b:s4+s2] =	stream.indirect_vreg.scatter [tilespmem:s17], [sflag:$0x1], $0x80, v4, vm0, $0xb8;
	[tilespmem:$0x10100] =	vst v63  }
0xbf: {  	s18 =	simm.s32 $0xD000;
	v3 =	vadd.s32 v1, v3  }
0xc0: {  	[hbm4b:s5+s2] =	stream.indirect_vreg.scatter [tilespmem:s18], [sflag:$0x1], $0x80, v4, vm0, $0xb8;
	[tilespmem:$0x10100] =	vst v63  }
0xc1: {  	s17 =	simm.s32 $0xD800  }
0xc2: {  	[hbm4b:s6+s2] =	stream.indirect_vreg.scatter [tilespmem:s17], [sflag:$0x1], $0x80, v4, vm0, $0xb8;
	[tilespmem:$0x10100] =	vst v63  }
0xc3: {  	s18 =	simm.s32 $0xE000  }
0xc4: {  	[hbm4b:s3+s2] =	stream.indirect_vreg.scatter [tilespmem:s18], [sflag:$0x1], $0x80, v3, vm0, $0xb8;
	[tilespmem:$0x10100] =	vst v63  }
0xc5: {  	s17 =	simm.s32 $0xE800  }
0xc6: {  	[hbm4b:s4+s2] =	stream.indirect_vreg.scatter [tilespmem:s17], [sflag:$0x1], $0x80, v3, vm0, $0xb8;
	[tilespmem:$0x10100] =	vst v63  }
0xc7: {  	s18 =	simm.s32 $0xF000  }
0xc8: {  	[hbm4b:s5+s2] =	stream.indirect_vreg.scatter [tilespmem:s18], [sflag:$0x1], $0x80, v3, vm0, $0xb8;
	[tilespmem:$0x10100] =	vst v63  }
0xc9: {  	s17 =	simm.s32 $0xF800;
	s18 =	simm.s32 $0x1  }
0xca: {  	[hbm4b:s6+s2] =	stream.indirect_vreg.scatter [tilespmem:s17], [sflag:$0x1], $0x80, v3, vm0, $0xb8;
	[tilespmem:$0x10100] =	vst v63  }
0xcb: {  	p0 =	sne.s32 s7, $0x1;
	_ =	swait.ge [sflag:s18], $0x10000  }
.Ltmp0:
0xcc: {  	[sflag:s18] =	ssyncset.done $0x0;
	(pc) =	sbr.rel @p0 .LBB2_1-.Ltmp0, $4  }
0xcd: {  	[sflag:s18] =	ssyncadd.s32 $0xFFFF0000  }
0xce: {  	_ =	swait.ge [sflag:s18], $0x10000  }
0xcf: {  	[sflag:s18] =	ssyncset.done $0x0  }
0xd0: {  	s7 =	sadd.s32 $0xFFFFFFFF, s7;
	[sflag:s18] =	ssyncadd.s32 $0xFFFF0000  }
0xd1: {  	_ =	sfence.sel $0x180000  }
0xd2: {  	[bflag:$0x0] =	sbarrier.arrive $0xFFFF  }
0xd3: {  	_ =	strace $0x90000047  }
0xd4: {  	s0 =	stileid.u32;
	[bflag:$0x2] =	sbarrier.arrive $0xFFFF  }
0xd5: {  	p0 =	sne.s32 s0, $0x0;
	s0 =	rddreg [dreg:$0x2]  }
0xd6: {  	s0 =	sadd.s32 @!p0 $0x100000, s0  }
0xd7: {  	[sflag:s0] =	ssyncadd.tile.s32 @!p0 $0x1;
	_ =	shalt  }
.Lfunc_end2:
_tile_overlayer_lowered:
.L_overlay_start_2:
0xd8: {  	(tag) =	ssettag $0x2  }
0xd9: {  	s0 =	rddreg [dreg:$0x0];
	s2 =	stileid.u32  }
0xda: {  	s1 =	rddreg [dreg:$0x1];
	p0 =	sne.s32 s2, $0x0  }
0xdb: {  	s3 =	rddreg [dreg:$0x2];
	[bflag:$0x3] =	sbarrier.arrive $0xFFFF;
	s2 =	simm.s32 @!p0 $0x1C02  }
0xdc: {  	[timem:s3], [sflag:s2] =	dma.local @!p0 [hbm:s0], s1  }
0xdd: {  	s0 =	simm.s32 @!p0 $0x2  }
0xde: {  	_ =	swait.ge @!p0 [sflag:s0], s1  }
0xdf: {  	s1 =	ssub.s32 @!p0 $0x0, s1;
	[sflag:s0] =	ssyncset.done @!p0 $0x0  }
0xe0: {  	[sflag:s0] =	ssyncadd.s32 @!p0 s1  }
0xe1: {  	[bflag:$0x3] =	sbarrier.arrive $0xFFFF  }
0xe2: {  	_ =	shalt  }

</sc_bundles>
